<compile_context>
chip_gen: v7x
topology: tpu7x:2x2x1
jax: 0.10.2.dev20260603
libtpu: 0.0.44.dev20260713+nightly
codegen_flags: <defaults>
</compile_context>

<pallas_src>
import functools

import jax
import jax.numpy as jnp
from jax import lax
from jax.experimental import pallas as pl
from jax.experimental.pallas import tpu as pltpu
from jax.experimental.pallas import tpu_sc as plsc

N = 10000
E = 320000
F = 128

NC = 2
NS = 16
NW = NC * NS
E_PER_W = E // NW
CHUNK = 80
N_CHUNKS = E_PER_W // CHUNK
N_PAD = 10240
ROWS_PER_TILE = N_PAD // NS
ZROWS = 128


def _agg_body(x_hbm, ei_hbm, out_hbm, src_v, dst_v, rows_v, zbuf, agg_sh, sem):
  c = lax.axis_index("c")
  s = lax.axis_index("s")
  wid = s * NC + c

  def _zrow(i, _):
    def _zcol(j, _):
      zbuf[i, pl.ds(j * 16, 16)] = jnp.zeros((16,), jnp.float32)
      return 0
    return lax.fori_loop(0, F // 16, _zcol, 0)
  lax.fori_loop(0, ZROWS, _zrow, 0)
  for r in range(ROWS_PER_TILE // ZROWS):
    pltpu.sync_copy(zbuf, agg_sh.at[pl.ds(s * ROWS_PER_TILE + r * ZROWS, ZROWS)])
  plsc.subcore_barrier()

  def _chunk(i, _):
    base = wid * E_PER_W + i * CHUNK
    pltpu.sync_copy(ei_hbm.at[pl.ds(base, CHUNK)], src_v)
    pltpu.sync_copy(ei_hbm.at[pl.ds(E + base, CHUNK)], dst_v)
    pltpu.async_copy(x_hbm.at[src_v], rows_v, sem).wait()
    pltpu.sync_copy(rows_v, agg_sh.at[dst_v], add=True)
    return 0
  lax.fori_loop(0, N_CHUNKS, _chunk, 0)
  plsc.subcore_barrier()

  pltpu.sync_copy(agg_sh.at[pl.ds(s * ROWS_PER_TILE, ROWS_PER_TILE)],
                  out_hbm.at[c, pl.ds(s * ROWS_PER_TILE, ROWS_PER_TILE)])


_agg = functools.partial(
    pl.kernel,
    out_type=jax.ShapeDtypeStruct((NC, N_PAD, F), jnp.float32),
    mesh=plsc.VectorSubcoreMesh(core_axis_name="c", subcore_axis_name="s"),
    scratch_types=[
        pltpu.VMEM((CHUNK,), jnp.int32),
        pltpu.VMEM((CHUNK,), jnp.int32),
        pltpu.VMEM((CHUNK, F), jnp.float32),
        pltpu.VMEM((ZROWS, F), jnp.float32),
        pltpu.VMEM_SHARED((N_PAD, F), jnp.float32),
        pltpu.SemaphoreType.DMA,
    ],
)(_agg_body)


def _mlp_body(last, a0_ref, a1_ref, x_ref, w1_ref, b1_ref, w2_ref, b2_ref, o_ref):
  h = x_ref[...] + a0_ref[0] + a1_ref[0]
  t = jnp.maximum(jnp.dot(h, w1_ref[...], preferred_element_type=jnp.float32)
                  + b1_ref[...], 0.0)
  o = jnp.dot(t, w2_ref[...], preferred_element_type=jnp.float32) + b2_ref[...]
  if last:
    m = jnp.max(o, axis=-1, keepdims=True)
    lse = m + jnp.log(jnp.sum(jnp.exp(o - m), axis=-1, keepdims=True))
    o_ref[...] = o - lse
  else:
    o_ref[...] = jnp.maximum(o, 0.0) + x_ref[...]


def _mlp(agg, x, W1, b1, W2, b2, last):
  blk = 1000
  grid = N // blk
  out_ch = W2.shape[1]
  return pl.pallas_call(
      functools.partial(_mlp_body, last),
      grid=(grid,),
      in_specs=[
          pl.BlockSpec((1, blk, F), lambda i: (0, i, 0)),
          pl.BlockSpec((1, blk, F), lambda i: (1, i, 0)),
          pl.BlockSpec((blk, F), lambda i: (i, 0)),
          pl.BlockSpec((F, W1.shape[1]), lambda i: (0, 0)),
          pl.BlockSpec((W1.shape[1],), lambda i: (0,)),
          pl.BlockSpec((W1.shape[1], out_ch), lambda i: (0, 0)),
          pl.BlockSpec((out_ch,), lambda i: (0,)),
      ],
      out_specs=pl.BlockSpec((blk, out_ch), lambda i: (i, 0)),
      out_shape=jax.ShapeDtypeStruct((N, out_ch), jnp.float32),
  )(agg, agg, x, W1, b1, W2, b2)


def kernel(x, edge_index, W0_1, b0_1, W0_2, b0_2, W1_1, b1_1, W1_2, b1_2,
           W2_1, b2_1, W2_2, b2_2):
  edge_index = edge_index.reshape(-1)
  agg = _agg(x, edge_index)
  x = _mlp(agg, x, W0_1, b0_1, W0_2, b0_2, last=False)
  agg = _agg(x, edge_index)
  x = _mlp(agg, x, W1_1, b1_1, W1_2, b1_2, last=False)
  agg = _agg(x, edge_index)
  return _mlp(agg, x, W2_1, b2_1, W2_2, b2_2, last=True)

# --- scband reference (transcript-rebuilt; emitter-appended) ---
"""Pipeline reference for scband-gin-35459249995961 (READ-ONLY COPY).

The authoritative reference and input builder live on the scoring server;
editing this copy changes nothing except your own understanding.
"""

import jax, jax.numpy as jnp
import numpy as np

N_NODES = 10000
N_EDGES = 320000
IN_CH = 128
HID_CH = 128
OUT_CH = 64


def setup_inputs(seed: int = 0) -> dict:
    key = jax.random.key(seed)
    ks = jax.random.split(key, 16)
    x = jax.random.normal(ks[0], (N_NODES, IN_CH), dtype=jnp.float32)
    edge_index = jax.random.randint(ks[1], (2, N_EDGES), 0, N_NODES, dtype=jnp.int64 if jax.config.jax_enable_x64 else jnp.int32).astype(jnp.int32)
    s = 0.05
    # GINConv 0 MLP: [128,128,128]
    W0_1 = jax.random.normal(ks[2], (IN_CH, HID_CH), dtype=jnp.float32) * s
    b0_1 = jnp.zeros((HID_CH,), dtype=jnp.float32)
    W0_2 = jax.random.normal(ks[3], (HID_CH, HID_CH), dtype=jnp.float32) * s
    b0_2 = jnp.zeros((HID_CH,), dtype=jnp.float32)
    # GINConv 1 MLP: [128,128,128]
    W1_1 = jax.random.normal(ks[4], (HID_CH, HID_CH), dtype=jnp.float32) * s
    b1_1 = jnp.zeros((HID_CH,), dtype=jnp.float32)
    W1_2 = jax.random.normal(ks[5], (HID_CH, HID_CH), dtype=jnp.float32) * s
    b1_2 = jnp.zeros((HID_CH,), dtype=jnp.float32)
    # GINConv 2 (last) MLP: [128,128,64]
    W2_1 = jax.random.normal(ks[6], (HID_CH, HID_CH), dtype=jnp.float32) * s
    b2_1 = jnp.zeros((HID_CH,), dtype=jnp.float32)
    W2_2 = jax.random.normal(ks[7], (HID_CH, OUT_CH), dtype=jnp.float32) * s
    b2_2 = jnp.zeros((OUT_CH,), dtype=jnp.float32)
    return {"x": x, "edge_index": edge_index,
            "W0_1": W0_1, "b0_1": b0_1, "W0_2": W0_2, "b0_2": b0_2,
            "W1_1": W1_1, "b1_1": b1_1, "W1_2": W1_2, "b1_2": b1_2,
            "W2_1": W2_1, "b2_1": b2_1, "W2_2": W2_2, "b2_2": b2_2}


def _gin_conv(x, edge_index, W1, b1, W2, b2):
    # GINConv with train_eps=False (eps=0), aggr='add':
    # out = MLP((1+eps)*x + sum_{j in N(i)} x_j)
    src = edge_index[0]
    dst = edge_index[1]
    msgs = jnp.take(x, src, axis=0)
    agg = jax.ops.segment_sum(msgs, dst, num_segments=x.shape[0])
    h = x + agg
    # MLP: Linear -> ReLU -> (dropout p=0) -> Linear (plain last)
    h = h @ W1 + b1
    h = jax.nn.relu(h)
    h = h @ W2 + b2
    return h


def reference(x, edge_index, W0_1, b0_1, W0_2, b0_2, W1_1, b1_1, W1_2, b1_2, W2_1, b2_1, W2_2, b2_2):
    # layer 0 (in_channels == hidden_channels -> downsample is Identity)
    out = _gin_conv(x, edge_index, W0_1, b0_1, W0_2, b0_2)
    x = jax.nn.relu(out) + x
    # layer 1
    out = _gin_conv(x, edge_index, W1_1, b1_1, W1_2, b1_2)
    x = jax.nn.relu(out) + x
    # final layer
    x = _gin_conv(x, edge_index, W2_1, b2_1, W2_2, b2_2)
    return jax.nn.log_softmax(x, axis=-1)

if __name__ == "__main__":
    import jax
    _d = setup_inputs()
    print(jax.jit(kernel)(*tuple(_d.values())))

</pallas_src>

<mosaic_0001>
#map = affine_map<(d0, d1) -> (0, 0)>
#map1 = affine_map<(d0, d1) -> (0)>
#map2 = affine_map<(d0, d1) -> (0, 0, 0)>
module attributes {stable_mosaic.version = 14 : i64} {
  func.func @_agg_body(%arg0: i32, %arg1: i32, %arg2: memref<10000x128xf32, #tpu.memory_space<hbm>>, %arg3: memref<640000xi32, #tpu.memory_space<hbm>>, %arg4: memref<2x10240x128xf32, #tpu.memory_space<hbm>>, %arg5: memref<80xi32, #tpu.memory_space<vmem>>, %arg6: memref<80xi32, #tpu.memory_space<vmem>>, %arg7: memref<80x128xf32, #tpu.memory_space<vmem>>, %arg8: memref<128x128xf32, #tpu.memory_space<vmem>>, %arg9: memref<10240x128xf32, #tpu.memory_space<vmem_shared>>, %arg10: memref<!tpu.dma_semaphore, #tpu.memory_space<semaphore_mem>>) attributes {dimension_semantics = [#tpu.dimension_semantics<core_parallel>, #tpu.dimension_semantics<subcore_parallel>], iteration_bounds = array<i64: 2, 16>, scalar_prefetch = 0 : i64, scratch_operands = 6 : i64, tpu.core_type = #tpu.core_type<sc_vector_subcore>, window_params = [{transform_indices = #map}, {transform_indices = #map1}, {transform_indices = #map2}]} {
    %mul3A = arith.constant 2 : i32
    %mul3A_0 = arith.muli %arg1, %mul3A : i32
    %add3A = arith.addi %mul3A_0, %arg0 : i32
    %scan3A = arith.constant 0 : i32
    %scan3A_1 = arith.constant 0 : i32
    %scan3A_2 = arith.constant 128 : i32
    %scan3A_3 = arith.addi %scan3A_1, %scan3A_2 : i32
    %scan3A_4 = arith.constant 1 : i32
    %scan3A_5 = scf.for %scan3A_39 = %scan3A_1 to %scan3A_3 step %scan3A_4 iter_args(%scan3A_40 = %scan3A) -> (i32)  : i32 {
      %scan3A_41 = arith.constant 0 : i32
      %scan3A_42 = arith.constant 0 : i32
      %scan3A_43 = arith.constant 8 : i32
      %scan3A_44 = arith.addi %scan3A_42, %scan3A_43 : i32
      %scan3A_45 = arith.constant 1 : i32
      %scan3A_46 = scf.for %scan3A_48 = %scan3A_42 to %scan3A_44 step %scan3A_45 iter_args(%scan3A_49 = %scan3A_41) -> (i32)  : i32 {
        %broadcast_in_dim3A = arith.constant 0.000000e+00 : f32
        %broadcast_in_dim3A_50 = vector.broadcast %broadcast_in_dim3A : f32 to vector<16xf32>
        %mul3A_51 = arith.constant 16 : i32
        %mul3A_52 = arith.muli %scan3A_48, %mul3A_51 : i32
        %swap3A = arith.index_cast %scan3A_39 : i32 to index
        %swap3A_53 = arith.index_cast %mul3A_52 : i32 to index
        %swap3A_54 = tpu.vector_load %arg8[%swap3A, %swap3A_53] {strides = array<i32>} : memref<128x128xf32, #tpu.memory_space<vmem>>, vector<1x16xf32>,
        %swap3A_55 = vector.shape_cast %swap3A_54 : vector<1x16xf32> to vector<16xf32>
        %swap3A_56 = vector.shape_cast %broadcast_in_dim3A_50 : vector<16xf32> to vector<1x16xf32>
        tpu.vector_store %arg8[%swap3A, %swap3A_53], %swap3A_56 {strides = array<i32>} : memref<128x128xf32, #tpu.memory_space<vmem>>, vector<1x16xf32>,
        %scan3A_57 = arith.constant 0 : i32
        scf.yield %scan3A_57 : i32
      }
      %scan3A_47 = arith.constant 8 : i32
      scf.yield %scan3A_46 : i32
    }
    %scan3A_6 = arith.constant 128 : i32
    %mul3A_7 = arith.constant 640 : i32
    %mul3A_8 = arith.muli %arg1, %mul3A_7 : i32
    %add3A_9 = arith.constant 0 : i32
    %add3A_10 = arith.addi %mul3A_8, %add3A_9 : i32
    "tpu.region"() ({
      %run_scoped3A = tpu.sem_alloc : memref<!tpu.dma_semaphore, #tpu.memory_space<semaphore_mem>>
      %dma_start3A = arith.constant 0 : i32
      %dma_start3A_39 = tpu.memref_slice %arg9[%add3A_10, %dma_start3A] : memref<10240x128xf32, #tpu.memory_space<vmem_shared>> -> memref<128x128xf32, #tpu.memory_space<vmem_shared>>
      %dma_start3A_40 = arith.constant 0 : i32
      %dma_start3A_41 = tpu.memref_slice %arg9[%add3A_10, %dma_start3A_40] : memref<10240x128xf32, #tpu.memory_space<vmem_shared>> -> memref<128x128xf32, #tpu.memory_space<vmem_shared>>
      tpu.enqueue_dma source(%arg8 : memref<128x128xf32, #tpu.memory_space<vmem>>) target(%dma_start3A_41 : memref<128x128xf32, #tpu.memory_space<vmem_shared>>) target_semaphore(%run_scoped3A : memref<!tpu.dma_semaphore, #tpu.memory_space<semaphore_mem>>)
      %dma_wait3A = arith.constant 0 : i32
      %dma_wait3A_42 = tpu.memref_slice %arg9[%add3A_10, %dma_wait3A] : memref<10240x128xf32, #tpu.memory_space<vmem_shared>> -> memref<128x128xf32, #tpu.memory_space<vmem_shared>>
      %dma_wait3A_43 = arith.constant 0 : i32
      %dma_wait3A_44 = tpu.memref_slice %arg9[%add3A_10, %dma_wait3A_43] : memref<10240x128xf32, #tpu.memory_space<vmem_shared>> -> memref<128x128xf32, #tpu.memory_space<vmem_shared>>
      tpu.wait_dma2 semaphore(%run_scoped3A : memref<!tpu.dma_semaphore, #tpu.memory_space<semaphore_mem>>) src(%arg8 : memref<128x128xf32, #tpu.memory_space<vmem>>) dst(%dma_wait3A_44 : memref<128x128xf32, #tpu.memory_space<vmem_shared>>)
      tpu.yield
    }) : () -> ()
    %mul3A_11 = arith.constant 640 : i32
    %mul3A_12 = arith.muli %arg1, %mul3A_11 : i32
    %add3A_13 = arith.constant 128 : i32
    %add3A_14 = arith.addi %mul3A_12, %add3A_13 : i32
    "tpu.region"() ({
      %run_scoped3A = tpu.sem_alloc : memref<!tpu.dma_semaphore, #tpu.memory_space<semaphore_mem>>
      %dma_start3A = arith.constant 0 : i32
      %dma_start3A_39 = tpu.memref_slice %arg9[%add3A_14, %dma_start3A] : memref<10240x128xf32, #tpu.memory_space<vmem_shared>> -> memref<128x128xf32, #tpu.memory_space<vmem_shared>>
      %dma_start3A_40 = arith.constant 0 : i32
      %dma_start3A_41 = tpu.memref_slice %arg9[%add3A_14, %dma_start3A_40] : memref<10240x128xf32, #tpu.memory_space<vmem_shared>> -> memref<128x128xf32, #tpu.memory_space<vmem_shared>>
      tpu.enqueue_dma source(%arg8 : memref<128x128xf32, #tpu.memory_space<vmem>>) target(%dma_start3A_41 : memref<128x128xf32, #tpu.memory_space<vmem_shared>>) target_semaphore(%run_scoped3A : memref<!tpu.dma_semaphore, #tpu.memory_space<semaphore_mem>>)
      %dma_wait3A = arith.constant 0 : i32
      %dma_wait3A_42 = tpu.memref_slice %arg9[%add3A_14, %dma_wait3A] : memref<10240x128xf32, #tpu.memory_space<vmem_shared>> -> memref<128x128xf32, #tpu.memory_space<vmem_shared>>
      %dma_wait3A_43 = arith.constant 0 : i32
      %dma_wait3A_44 = tpu.memref_slice %arg9[%add3A_14, %dma_wait3A_43] : memref<10240x128xf32, #tpu.memory_space<vmem_shared>> -> memref<128x128xf32, #tpu.memory_space<vmem_shared>>
      tpu.wait_dma2 semaphore(%run_scoped3A : memref<!tpu.dma_semaphore, #tpu.memory_space<semaphore_mem>>) src(%arg8 : memref<128x128xf32, #tpu.memory_space<vmem>>) dst(%dma_wait3A_44 : memref<128x128xf32, #tpu.memory_space<vmem_shared>>)
      tpu.yield
    }) : () -> ()
    %mul3A_15 = arith.constant 640 : i32
    %mul3A_16 = arith.muli %arg1, %mul3A_15 : i32
    %add3A_17 = arith.constant 256 : i32
    %add3A_18 = arith.addi %mul3A_16, %add3A_17 : i32
    "tpu.region"() ({
      %run_scoped3A = tpu.sem_alloc : memref<!tpu.dma_semaphore, #tpu.memory_space<semaphore_mem>>
      %dma_start3A = arith.constant 0 : i32
      %dma_start3A_39 = tpu.memref_slice %arg9[%add3A_18, %dma_start3A] : memref<10240x128xf32, #tpu.memory_space<vmem_shared>> -> memref<128x128xf32, #tpu.memory_space<vmem_shared>>
      %dma_start3A_40 = arith.constant 0 : i32
      %dma_start3A_41 = tpu.memref_slice %arg9[%add3A_18, %dma_start3A_40] : memref<10240x128xf32, #tpu.memory_space<vmem_shared>> -> memref<128x128xf32, #tpu.memory_space<vmem_shared>>
      tpu.enqueue_dma source(%arg8 : memref<128x128xf32, #tpu.memory_space<vmem>>) target(%dma_start3A_41 : memref<128x128xf32, #tpu.memory_space<vmem_shared>>) target_semaphore(%run_scoped3A : memref<!tpu.dma_semaphore, #tpu.memory_space<semaphore_mem>>)
      %dma_wait3A = arith.constant 0 : i32
      %dma_wait3A_42 = tpu.memref_slice %arg9[%add3A_18, %dma_wait3A] : memref<10240x128xf32, #tpu.memory_space<vmem_shared>> -> memref<128x128xf32, #tpu.memory_space<vmem_shared>>
      %dma_wait3A_43 = arith.constant 0 : i32
      %dma_wait3A_44 = tpu.memref_slice %arg9[%add3A_18, %dma_wait3A_43] : memref<10240x128xf32, #tpu.memory_space<vmem_shared>> -> memref<128x128xf32, #tpu.memory_space<vmem_shared>>
      tpu.wait_dma2 semaphore(%run_scoped3A : memref<!tpu.dma_semaphore, #tpu.memory_space<semaphore_mem>>) src(%arg8 : memref<128x128xf32, #tpu.memory_space<vmem>>) dst(%dma_wait3A_44 : memref<128x128xf32, #tpu.memory_space<vmem_shared>>)
      tpu.yield
    }) : () -> ()
    %mul3A_19 = arith.constant 640 : i32
    %mul3A_20 = arith.muli %arg1, %mul3A_19 : i32
    %add3A_21 = arith.constant 384 : i32
    %add3A_22 = arith.addi %mul3A_20, %add3A_21 : i32
    "tpu.region"() ({
      %run_scoped3A = tpu.sem_alloc : memref<!tpu.dma_semaphore, #tpu.memory_space<semaphore_mem>>
      %dma_start3A = arith.constant 0 : i32
      %dma_start3A_39 = tpu.memref_slice %arg9[%add3A_22, %dma_start3A] : memref<10240x128xf32, #tpu.memory_space<vmem_shared>> -> memref<128x128xf32, #tpu.memory_space<vmem_shared>>
      %dma_start3A_40 = arith.constant 0 : i32
      %dma_start3A_41 = tpu.memref_slice %arg9[%add3A_22, %dma_start3A_40] : memref<10240x128xf32, #tpu.memory_space<vmem_shared>> -> memref<128x128xf32, #tpu.memory_space<vmem_shared>>
      tpu.enqueue_dma source(%arg8 : memref<128x128xf32, #tpu.memory_space<vmem>>) target(%dma_start3A_41 : memref<128x128xf32, #tpu.memory_space<vmem_shared>>) target_semaphore(%run_scoped3A : memref<!tpu.dma_semaphore, #tpu.memory_space<semaphore_mem>>)
      %dma_wait3A = arith.constant 0 : i32
      %dma_wait3A_42 = tpu.memref_slice %arg9[%add3A_22, %dma_wait3A] : memref<10240x128xf32, #tpu.memory_space<vmem_shared>> -> memref<128x128xf32, #tpu.memory_space<vmem_shared>>
      %dma_wait3A_43 = arith.constant 0 : i32
      %dma_wait3A_44 = tpu.memref_slice %arg9[%add3A_22, %dma_wait3A_43] : memref<10240x128xf32, #tpu.memory_space<vmem_shared>> -> memref<128x128xf32, #tpu.memory_space<vmem_shared>>
      tpu.wait_dma2 semaphore(%run_scoped3A : memref<!tpu.dma_semaphore, #tpu.memory_space<semaphore_mem>>) src(%arg8 : memref<128x128xf32, #tpu.memory_space<vmem>>) dst(%dma_wait3A_44 : memref<128x128xf32, #tpu.memory_space<vmem_shared>>)
      tpu.yield
    }) : () -> ()
    %mul3A_23 = arith.constant 640 : i32
    %mul3A_24 = arith.muli %arg1, %mul3A_23 : i32
    %add3A_25 = arith.constant 512 : i32
    %add3A_26 = arith.addi %mul3A_24, %add3A_25 : i32
    "tpu.region"() ({
      %run_scoped3A = tpu.sem_alloc : memref<!tpu.dma_semaphore, #tpu.memory_space<semaphore_mem>>
      %dma_start3A = arith.constant 0 : i32
      %dma_start3A_39 = tpu.memref_slice %arg9[%add3A_26, %dma_start3A] : memref<10240x128xf32, #tpu.memory_space<vmem_shared>> -> memref<128x128xf32, #tpu.memory_space<vmem_shared>>
      %dma_start3A_40 = arith.constant 0 : i32
      %dma_start3A_41 = tpu.memref_slice %arg9[%add3A_26, %dma_start3A_40] : memref<10240x128xf32, #tpu.memory_space<vmem_shared>> -> memref<128x128xf32, #tpu.memory_space<vmem_shared>>
      tpu.enqueue_dma source(%arg8 : memref<128x128xf32, #tpu.memory_space<vmem>>) target(%dma_start3A_41 : memref<128x128xf32, #tpu.memory_space<vmem_shared>>) target_semaphore(%run_scoped3A : memref<!tpu.dma_semaphore, #tpu.memory_space<semaphore_mem>>)
      %dma_wait3A = arith.constant 0 : i32
      %dma_wait3A_42 = tpu.memref_slice %arg9[%add3A_26, %dma_wait3A] : memref<10240x128xf32, #tpu.memory_space<vmem_shared>> -> memref<128x128xf32, #tpu.memory_space<vmem_shared>>
      %dma_wait3A_43 = arith.constant 0 : i32
      %dma_wait3A_44 = tpu.memref_slice %arg9[%add3A_26, %dma_wait3A_43] : memref<10240x128xf32, #tpu.memory_space<vmem_shared>> -> memref<128x128xf32, #tpu.memory_space<vmem_shared>>
      tpu.wait_dma2 semaphore(%run_scoped3A : memref<!tpu.dma_semaphore, #tpu.memory_space<semaphore_mem>>) src(%arg8 : memref<128x128xf32, #tpu.memory_space<vmem>>) dst(%dma_wait3A_44 : memref<128x128xf32, #tpu.memory_space<vmem_shared>>)
      tpu.yield
    }) : () -> ()
    %barrier3A = arith.constant 0 : index
    tpu.barrier barrier_id(%barrier3A)
    %scan3A_27 = arith.constant 0 : i32
    %scan3A_28 = arith.constant 0 : i32
    %scan3A_29 = arith.constant 125 : i32
    %scan3A_30 = arith.addi %scan3A_28, %scan3A_29 : i32
    %scan3A_31 = arith.constant 1 : i32
    %scan3A_32 = scf.for %scan3A_39 = %scan3A_28 to %scan3A_30 step %scan3A_31 iter_args(%scan3A_40 = %scan3A_27) -> (i32)  : i32 {
      %mul3A_41 = arith.constant 10000 : i32
      %mul3A_42 = arith.muli %add3A, %mul3A_41 : i32
      %mul3A_43 = arith.constant 80 : i32
      %mul3A_44 = arith.muli %scan3A_39, %mul3A_43 : i32
      %add3A_45 = arith.addi %mul3A_42, %mul3A_44 : i32
      "tpu.region"() ({
        %run_scoped3A = tpu.sem_alloc : memref<!tpu.dma_semaphore, #tpu.memory_space<semaphore_mem>>
        %dma_start3A_53 = tpu.memref_slice %arg3[%add3A_45] : memref<640000xi32, #tpu.memory_space<hbm>> -> memref<80xi32, #tpu.memory_space<hbm>>
        %dma_start3A_54 = tpu.memref_slice %arg3[%add3A_45] : memref<640000xi32, #tpu.memory_space<hbm>> -> memref<80xi32, #tpu.memory_space<hbm>>
        tpu.enqueue_dma source(%dma_start3A_54 : memref<80xi32, #tpu.memory_space<hbm>>) target(%arg5 : memref<80xi32, #tpu.memory_space<vmem>>) target_semaphore(%run_scoped3A : memref<!tpu.dma_semaphore, #tpu.memory_space<semaphore_mem>>)
        %dma_wait3A_55 = tpu.memref_slice %arg3[%add3A_45] : memref<640000xi32, #tpu.memory_space<hbm>> -> memref<80xi32, #tpu.memory_space<hbm>>
        %dma_wait3A_56 = tpu.memref_slice %arg3[%add3A_45] : memref<640000xi32, #tpu.memory_space<hbm>> -> memref<80xi32, #tpu.memory_space<hbm>>
        tpu.wait_dma2 semaphore(%run_scoped3A : memref<!tpu.dma_semaphore, #tpu.memory_space<semaphore_mem>>) src(%dma_wait3A_56 : memref<80xi32, #tpu.memory_space<hbm>>) dst(%arg5 : memref<80xi32, #tpu.memory_space<vmem>>)
        tpu.yield
      }) : () -> ()
      %add3A_46 = arith.constant 320000 : i32
      %add3A_47 = arith.addi %add3A_46, %add3A_45 : i32
      "tpu.region"() ({
        %run_scoped3A = tpu.sem_alloc : memref<!tpu.dma_semaphore, #tpu.memory_space<semaphore_mem>>
        %dma_start3A_53 = tpu.memref_slice %arg3[%add3A_47] : memref<640000xi32, #tpu.memory_space<hbm>> -> memref<80xi32, #tpu.memory_space<hbm>>
        %dma_start3A_54 = tpu.memref_slice %arg3[%add3A_47] : memref<640000xi32, #tpu.memory_space<hbm>> -> memref<80xi32, #tpu.memory_space<hbm>>
        tpu.enqueue_dma source(%dma_start3A_54 : memref<80xi32, #tpu.memory_space<hbm>>) target(%arg6 : memref<80xi32, #tpu.memory_space<vmem>>) target_semaphore(%run_scoped3A : memref<!tpu.dma_semaphore, #tpu.memory_space<semaphore_mem>>)
        %dma_wait3A_55 = tpu.memref_slice %arg3[%add3A_47] : memref<640000xi32, #tpu.memory_space<hbm>> -> memref<80xi32, #tpu.memory_space<hbm>>
        %dma_wait3A_56 = tpu.memref_slice %arg3[%add3A_47] : memref<640000xi32, #tpu.memory_space<hbm>> -> memref<80xi32, #tpu.memory_space<hbm>>
        tpu.wait_dma2 semaphore(%run_scoped3A : memref<!tpu.dma_semaphore, #tpu.memory_space<semaphore_mem>>) src(%dma_wait3A_56 : memref<80xi32, #tpu.memory_space<hbm>>) dst(%arg6 : memref<80xi32, #tpu.memory_space<vmem>>)
        tpu.yield
      }) : () -> ()
      %dma_start3A = arith.constant 0 : i32
      %dma_start3A_48 = arith.constant 0 : i32
      %dma_start3A_49 = tpu.memref_slice %arg2[%dma_start3A, %dma_start3A_48] : memref<10000x128xf32, #tpu.memory_space<hbm>> -> memref<10000x128xf32, #tpu.memory_space<hbm>>
      tpu.enqueue_indirect_dma source(%dma_start3A_49 : memref<10000x128xf32, #tpu.memory_space<hbm>>) target(%arg7 : memref<80x128xf32, #tpu.memory_space<vmem>>) offsets(%arg5 : memref<80xi32, #tpu.memory_space<vmem>>) semaphore(%arg10 : memref<!tpu.dma_semaphore, #tpu.memory_space<semaphore_mem>>)
      %dma_wait3A = arith.constant 0 : i32
      %dma_wait3A_50 = arith.constant 0 : i32
      %dma_wait3A_51 = tpu.memref_slice %arg2[%dma_wait3A, %dma_wait3A_50] : memref<10000x128xf32, #tpu.memory_space<hbm>> -> memref<10000x128xf32, #tpu.memory_space<hbm>>
      tpu.wait_indirect_dma semaphore(%arg10 : memref<!tpu.dma_semaphore, #tpu.memory_space<semaphore_mem>>) src(%dma_wait3A_51 : memref<10000x128xf32, #tpu.memory_space<hbm>>) dst(%arg7 : memref<80x128xf32, #tpu.memory_space<vmem>>)
      "tpu.region"() ({
        %run_scoped3A = tpu.sem_alloc : memref<!tpu.dma_semaphore, #tpu.memory_space<semaphore_mem>>
        %dma_start3A_53 = arith.constant 0 : i32
        %dma_start3A_54 = arith.constant 0 : i32
        %dma_start3A_55 = tpu.memref_slice %arg9[%dma_start3A_53, %dma_start3A_54] : memref<10240x128xf32, #tpu.memory_space<vmem_shared>> -> memref<10240x128xf32, #tpu.memory_space<vmem_shared>>
        tpu.enqueue_indirect_dma source(%arg7 : memref<80x128xf32, #tpu.memory_space<vmem>>) target(%dma_start3A_55 : memref<10240x128xf32, #tpu.memory_space<vmem_shared>>) offsets(%arg6 : memref<80xi32, #tpu.memory_space<vmem>>) semaphore(%run_scoped3A : memref<!tpu.dma_semaphore, #tpu.memory_space<semaphore_mem>>) {add = true}
        %dma_wait3A_56 = arith.constant 0 : i32
        %dma_wait3A_57 = arith.constant 0 : i32
        %dma_wait3A_58 = tpu.memref_slice %arg9[%dma_wait3A_56, %dma_wait3A_57] : memref<10240x128xf32, #tpu.memory_space<vmem_shared>> -> memref<10240x128xf32, #tpu.memory_space<vmem_shared>>
        tpu.wait_indirect_dma semaphore(%run_scoped3A : memref<!tpu.dma_semaphore, #tpu.memory_space<semaphore_mem>>) src(%arg7 : memref<80x128xf32, #tpu.memory_space<vmem>>) dst(%dma_wait3A_58 : memref<10240x128xf32, #tpu.memory_space<vmem_shared>>)
        tpu.yield
      }) : () -> ()
      %scan3A_52 = arith.constant 0 : i32
      scf.yield %scan3A_52 : i32
    }
    %scan3A_33 = arith.constant 125 : i32
    %barrier3A_34 = arith.constant 0 : index
    tpu.barrier barrier_id(%barrier3A_34)
    %mul3A_35 = arith.constant 640 : i32
    %mul3A_36 = arith.muli %arg1, %mul3A_35 : i32
    %mul3A_37 = arith.constant 640 : i32
    %mul3A_38 = arith.muli %arg1, %mul3A_37 : i32
    "tpu.region"() ({
      %run_scoped3A = tpu.sem_alloc : memref<!tpu.dma_semaphore, #tpu.memory_space<semaphore_mem>>
      %dma_start3A = arith.constant 0 : i32
      %dma_start3A_39 = tpu.memref_slice %arg4[%arg0, %mul3A_38, %dma_start3A] : memref<2x10240x128xf32, #tpu.memory_space<hbm>> -> memref<1x640x128xf32, #tpu.memory_space<hbm>>
      %dma_start3A_40 = tpu.memref_squeeze %dma_start3A_39 : memref<1x640x128xf32, #tpu.memory_space<hbm>> -> memref<640x128xf32, #tpu.memory_space<hbm>>
      %dma_start3A_41 = arith.constant 0 : i32
      %dma_start3A_42 = tpu.memref_slice %arg9[%mul3A_36, %dma_start3A_41] : memref<10240x128xf32, #tpu.memory_space<vmem_shared>> -> memref<640x128xf32, #tpu.memory_space<vmem_shared>>
      tpu.enqueue_dma source(%dma_start3A_42 : memref<640x128xf32, #tpu.memory_space<vmem_shared>>) target(%dma_start3A_40 : memref<640x128xf32, #tpu.memory_space<hbm>>) target_semaphore(%run_scoped3A : memref<!tpu.dma_semaphore, #tpu.memory_space<semaphore_mem>>)
      %dma_wait3A = arith.constant 0 : i32
      %dma_wait3A_43 = tpu.memref_slice %arg4[%arg0, %mul3A_38, %dma_wait3A] : memref<2x10240x128xf32, #tpu.memory_space<hbm>> -> memref<1x640x128xf32, #tpu.memory_space<hbm>>
      %dma_wait3A_44 = tpu.memref_squeeze %dma_wait3A_43 : memref<1x640x128xf32, #tpu.memory_space<hbm>> -> memref<640x128xf32, #tpu.memory_space<hbm>>
      %dma_wait3A_45 = arith.constant 0 : i32
      %dma_wait3A_46 = tpu.memref_slice %arg9[%mul3A_36, %dma_wait3A_45] : memref<10240x128xf32, #tpu.memory_space<vmem_shared>> -> memref<640x128xf32, #tpu.memory_space<vmem_shared>>
      tpu.wait_dma2 semaphore(%run_scoped3A : memref<!tpu.dma_semaphore, #tpu.memory_space<semaphore_mem>>) src(%dma_wait3A_46 : memref<640x128xf32, #tpu.memory_space<vmem_shared>>) dst(%dma_wait3A_44 : memref<640x128xf32, #tpu.memory_space<hbm>>)
      tpu.yield
    }) : () -> ()
    return
  }
}

#map = affine_map<(d0, d1) -> (0, 0)>
#map1 = affine_map<(d0, d1) -> (0)>
#map2 = affine_map<(d0, d1) -> (0, 0, 0)>
module attributes {stable_mosaic.version = 14 : i64} {
  func.func @_agg_body(%arg0: i32, %arg1: i32, %arg2: memref<10000x128xf32, #tpu.memory_space<hbm>>, %arg3: memref<640000xi32, #tpu.memory_space<hbm>>, %arg4: memref<2x10240x128xf32, #tpu.memory_space<hbm>>, %arg5: memref<80xi32, #tpu.memory_space<vmem>>, %arg6: memref<80xi32, #tpu.memory_space<vmem>>, %arg7: memref<80x128xf32, #tpu.memory_space<vmem>>, %arg8: memref<128x128xf32, #tpu.memory_space<vmem>>, %arg9: memref<10240x128xf32, #tpu.memory_space<vmem_shared>>, %arg10: memref<!tpu.dma_semaphore, #tpu.memory_space<semaphore_mem>>) attributes {dimension_semantics = [#tpu.dimension_semantics<core_parallel>, #tpu.dimension_semantics<subcore_parallel>], iteration_bounds = array<i64: 2, 16>, scalar_prefetch = 0 : i64, scratch_operands = 6 : i64, tpu.core_type = #tpu.core_type<sc_vector_subcore>, window_params = [{transform_indices = #map}, {transform_indices = #map1}, {transform_indices = #map2}]} {
    %mul3A = arith.constant 2 : i32
    %mul3A_0 = arith.muli %arg1, %mul3A : i32
    %add3A = arith.addi %mul3A_0, %arg0 : i32
    %scan3A = arith.constant 0 : i32
    %scan3A_1 = arith.constant 0 : i32
    %scan3A_2 = arith.constant 128 : i32
    %scan3A_3 = arith.addi %scan3A_1, %scan3A_2 : i32
    %scan3A_4 = arith.constant 1 : i32
    %scan3A_5 = scf.for %scan3A_39 = %scan3A_1 to %scan3A_3 step %scan3A_4 iter_args(%scan3A_40 = %scan3A) -> (i32)  : i32 {
      %scan3A_41 = arith.constant 0 : i32
      %scan3A_42 = arith.constant 0 : i32
      %scan3A_43 = arith.constant 8 : i32
      %scan3A_44 = arith.addi %scan3A_42, %scan3A_43 : i32
      %scan3A_45 = arith.constant 1 : i32
      %scan3A_46 = scf.for %scan3A_48 = %scan3A_42 to %scan3A_44 step %scan3A_45 iter_args(%scan3A_49 = %scan3A_41) -> (i32)  : i32 {
        %broadcast_in_dim3A = arith.constant 0.000000e+00 : f32
        %broadcast_in_dim3A_50 = vector.broadcast %broadcast_in_dim3A : f32 to vector<16xf32>
        %mul3A_51 = arith.constant 16 : i32
        %mul3A_52 = arith.muli %scan3A_48, %mul3A_51 : i32
        %swap3A = arith.index_cast %scan3A_39 : i32 to index
        %swap3A_53 = arith.index_cast %mul3A_52 : i32 to index
        %swap3A_54 = tpu.vector_load %arg8[%swap3A, %swap3A_53] {strides = array<i32>} : memref<128x128xf32, #tpu.memory_space<vmem>>, vector<1x16xf32>,
        %swap3A_55 = vector.shape_cast %swap3A_54 : vector<1x16xf32> to vector<16xf32>
        %swap3A_56 = vector.shape_cast %broadcast_in_dim3A_50 : vector<16xf32> to vector<1x16xf32>
        tpu.vector_store %arg8[%swap3A, %swap3A_53], %swap3A_56 {strides = array<i32>} : memref<128x128xf32, #tpu.memory_space<vmem>>, vector<1x16xf32>,
        %scan3A_57 = arith.constant 0 : i32
        scf.yield %scan3A_57 : i32
      }
      %scan3A_47 = arith.constant 8 : i32
      scf.yield %scan3A_46 : i32
    }
    %scan3A_6 = arith.constant 128 : i32
    %mul3A_7 = arith.constant 640 : i32
    %mul3A_8 = arith.muli %arg1, %mul3A_7 : i32
    %add3A_9 = arith.constant 0 : i32
    %add3A_10 = arith.addi %mul3A_8, %add3A_9 : i32
    "tpu.region"() ({
      %run_scoped3A = tpu.sem_alloc : memref<!tpu.dma_semaphore, #tpu.memory_space<semaphore_mem>>
      %dma_start3A = arith.constant 0 : i32
      %dma_start3A_39 = tpu.memref_slice %arg9[%add3A_10, %dma_start3A] : memref<10240x128xf32, #tpu.memory_space<vmem_shared>> -> memref<128x128xf32, #tpu.memory_space<vmem_shared>>
      %dma_start3A_40 = arith.constant 0 : i32
      %dma_start3A_41 = tpu.memref_slice %arg9[%add3A_10, %dma_start3A_40] : memref<10240x128xf32, #tpu.memory_space<vmem_shared>> -> memref<128x128xf32, #tpu.memory_space<vmem_shared>>
      tpu.enqueue_dma source(%arg8 : memref<128x128xf32, #tpu.memory_space<vmem>>) target(%dma_start3A_41 : memref<128x128xf32, #tpu.memory_space<vmem_shared>>) target_semaphore(%run_scoped3A : memref<!tpu.dma_semaphore, #tpu.memory_space<semaphore_mem>>)
      %dma_wait3A = arith.constant 0 : i32
      %dma_wait3A_42 = tpu.memref_slice %arg9[%add3A_10, %dma_wait3A] : memref<10240x128xf32, #tpu.memory_space<vmem_shared>> -> memref<128x128xf32, #tpu.memory_space<vmem_shared>>
      %dma_wait3A_43 = arith.constant 0 : i32
      %dma_wait3A_44 = tpu.memref_slice %arg9[%add3A_10, %dma_wait3A_43] : memref<10240x128xf32, #tpu.memory_space<vmem_shared>> -> memref<128x128xf32, #tpu.memory_space<vmem_shared>>
      tpu.wait_dma2 semaphore(%run_scoped3A : memref<!tpu.dma_semaphore, #tpu.memory_space<semaphore_mem>>) src(%arg8 : memref<128x128xf32, #tpu.memory_space<vmem>>) dst(%dma_wait3A_44 : memref<128x128xf32, #tpu.memory_space<vmem_shared>>)
      tpu.yield
    }) : () -> ()
    %mul3A_11 = arith.constant 640 : i32
    %mul3A_12 = arith.muli %arg1, %mul3A_11 : i32
    %add3A_13 = arith.constant 128 : i32
    %add3A_14 = arith.addi %mul3A_12, %add3A_13 : i32
    "tpu.region"() ({
      %run_scoped3A = tpu.sem_alloc : memref<!tpu.dma_semaphore, #tpu.memory_space<semaphore_mem>>
      %dma_start3A = arith.constant 0 : i32
      %dma_start3A_39 = tpu.memref_slice %arg9[%add3A_14, %dma_start3A] : memref<10240x128xf32, #tpu.memory_space<vmem_shared>> -> memref<128x128xf32, #tpu.memory_space<vmem_shared>>
      %dma_start3A_40 = arith.constant 0 : i32
      %dma_start3A_41 = tpu.memref_slice %arg9[%add3A_14, %dma_start3A_40] : memref<10240x128xf32, #tpu.memory_space<vmem_shared>> -> memref<128x128xf32, #tpu.memory_space<vmem_shared>>
      tpu.enqueue_dma source(%arg8 : memref<128x128xf32, #tpu.memory_space<vmem>>) target(%dma_start3A_41 : memref<128x128xf32, #tpu.memory_space<vmem_shared>>) target_semaphore(%run_scoped3A : memref<!tpu.dma_semaphore, #tpu.memory_space<semaphore_mem>>)
      %dma_wait3A = arith.constant 0 : i32
      %dma_wait3A_42 = tpu.memref_slice %arg9[%add3A_14, %dma_wait3A] : memref<10240x128xf32, #tpu.memory_space<vmem_shared>> -> memref<128x128xf32, #tpu.memory_space<vmem_shared>>
      %dma_wait3A_43 = arith.constant 0 : i32
      %dma_wait3A_44 = tpu.memref_slice %arg9[%add3A_14, %dma_wait3A_43] : memref<10240x128xf32, #tpu.memory_space<vmem_shared>> -> memref<128x128xf32, #tpu.memory_space<vmem_shared>>
      tpu.wait_dma2 semaphore(%run_scoped3A : memref<!tpu.dma_semaphore, #tpu.memory_space<semaphore_mem>>) src(%arg8 : memref<128x128xf32, #tpu.memory_space<vmem>>) dst(%dma_wait3A_44 : memref<128x128xf32, #tpu.memory_space<vmem_shared>>)
      tpu.yield
    }) : () -> ()
    %mul3A_15 = arith.constant 640 : i32
    %mul3A_16 = arith.muli %arg1, %mul3A_15 : i32
    %add3A_17 = arith.constant 256 : i32
    %add3A_18 = arith.addi %mul3A_16, %add3A_17 : i32
    "tpu.region"() ({
      %run_scoped3A = tpu.sem_alloc : memref<!tpu.dma_semaphore, #tpu.memory_space<semaphore_mem>>
      %dma_start3A = arith.constant 0 : i32
      %dma_start3A_39 = tpu.memref_slice %arg9[%add3A_18, %dma_start3A] : memref<10240x128xf32, #tpu.memory_space<vmem_shared>> -> memref<128x128xf32, #tpu.memory_space<vmem_shared>>
      %dma_start3A_40 = arith.constant 0 : i32
      %dma_start3A_41 = tpu.memref_slice %arg9[%add3A_18, %dma_start3A_40] : memref<10240x128xf32, #tpu.memory_space<vmem_shared>> -> memref<128x128xf32, #tpu.memory_space<vmem_shared>>
      tpu.enqueue_dma source(%arg8 : memref<128x128xf32, #tpu.memory_space<vmem>>) target(%dma_start3A_41 : memref<128x128xf32, #tpu.memory_space<vmem_shared>>) target_semaphore(%run_scoped3A : memref<!tpu.dma_semaphore, #tpu.memory_space<semaphore_mem>>)
      %dma_wait3A = arith.constant 0 : i32
      %dma_wait3A_42 = tpu.memref_slice %arg9[%add3A_18, %dma_wait3A] : memref<10240x128xf32, #tpu.memory_space<vmem_shared>> -> memref<128x128xf32, #tpu.memory_space<vmem_shared>>
      %dma_wait3A_43 = arith.constant 0 : i32
      %dma_wait3A_44 = tpu.memref_slice %arg9[%add3A_18, %dma_wait3A_43] : memref<10240x128xf32, #tpu.memory_space<vmem_shared>> -> memref<128x128xf32, #tpu.memory_space<vmem_shared>>
      tpu.wait_dma2 semaphore(%run_scoped3A : memref<!tpu.dma_semaphore, #tpu.memory_space<semaphore_mem>>) src(%arg8 : memref<128x128xf32, #tpu.memory_space<vmem>>) dst(%dma_wait3A_44 : memref<128x128xf32, #tpu.memory_space<vmem_shared>>)
      tpu.yield
    }) : () -> ()
    %mul3A_19 = arith.constant 640 : i32
    %mul3A_20 = arith.muli %arg1, %mul3A_19 : i32
    %add3A_21 = arith.constant 384 : i32
    %add3A_22 = arith.addi %mul3A_20, %add3A_21 : i32
    "tpu.region"() ({
      %run_scoped3A = tpu.sem_alloc : memref<!tpu.dma_semaphore, #tpu.memory_space<semaphore_mem>>
      %dma_start3A = arith.constant 0 : i32
      %dma_start3A_39 = tpu.memref_slice %arg9[%add3A_22, %dma_start3A] : memref<10240x128xf32, #tpu.memory_space<vmem_shared>> -> memref<128x128xf32, #tpu.memory_space<vmem_shared>>
      %dma_start3A_40 = arith.constant 0 : i32
      %dma_start3A_41 = tpu.memref_slice %arg9[%add3A_22, %dma_start3A_40] : memref<10240x128xf32, #tpu.memory_space<vmem_shared>> -> memref<128x128xf32, #tpu.memory_space<vmem_shared>>
      tpu.enqueue_dma source(%arg8 : memref<128x128xf32, #tpu.memory_space<vmem>>) target(%dma_start3A_41 : memref<128x128xf32, #tpu.memory_space<vmem_shared>>) target_semaphore(%run_scoped3A : memref<!tpu.dma_semaphore, #tpu.memory_space<semaphore_mem>>)
      %dma_wait3A = arith.constant 0 : i32
      %dma_wait3A_42 = tpu.memref_slice %arg9[%add3A_22, %dma_wait3A] : memref<10240x128xf32, #tpu.memory_space<vmem_shared>> -> memref<128x128xf32, #tpu.memory_space<vmem_shared>>
      %dma_wait3A_43 = arith.constant 0 : i32
      %dma_wait3A_44 = tpu.memref_slice %arg9[%add3A_22, %dma_wait3A_43] : memref<10240x128xf32, #tpu.memory_space<vmem_shared>> -> memref<128x128xf32, #tpu.memory_space<vmem_shared>>
      tpu.wait_dma2 semaphore(%run_scoped3A : memref<!tpu.dma_semaphore, #tpu.memory_space<semaphore_mem>>) src(%arg8 : memref<128x128xf32, #tpu.memory_space<vmem>>) dst(%dma_wait3A_44 : memref<128x128xf32, #tpu.memory_space<vmem_shared>>)
      tpu.yield
    }) : () -> ()
    %mul3A_23 = arith.constant 640 : i32
    %mul3A_24 = arith.muli %arg1, %mul3A_23 : i32
    %add3A_25 = arith.constant 512 : i32
    %add3A_26 = arith.addi %mul3A_24, %add3A_25 : i32
    "tpu.region"() ({
      %run_scoped3A = tpu.sem_alloc : memref<!tpu.dma_semaphore, #tpu.memory_space<semaphore_mem>>
      %dma_start3A = arith.constant 0 : i32
      %dma_start3A_39 = tpu.memref_slice %arg9[%add3A_26, %dma_start3A] : memref<10240x128xf32, #tpu.memory_space<vmem_shared>> -> memref<128x128xf32, #tpu.memory_space<vmem_shared>>
      %dma_start3A_40 = arith.constant 0 : i32
      %dma_start3A_41 = tpu.memref_slice %arg9[%add3A_26, %dma_start3A_40] : memref<10240x128xf32, #tpu.memory_space<vmem_shared>> -> memref<128x128xf32, #tpu.memory_space<vmem_shared>>
      tpu.enqueue_dma source(%arg8 : memref<128x128xf32, #tpu.memory_space<vmem>>) target(%dma_start3A_41 : memref<128x128xf32, #tpu.memory_space<vmem_shared>>) target_semaphore(%run_scoped3A : memref<!tpu.dma_semaphore, #tpu.memory_space<semaphore_mem>>)
      %dma_wait3A = arith.constant 0 : i32
      %dma_wait3A_42 = tpu.memref_slice %arg9[%add3A_26, %dma_wait3A] : memref<10240x128xf32, #tpu.memory_space<vmem_shared>> -> memref<128x128xf32, #tpu.memory_space<vmem_shared>>
      %dma_wait3A_43 = arith.constant 0 : i32
      %dma_wait3A_44 = tpu.memref_slice %arg9[%add3A_26, %dma_wait3A_43] : memref<10240x128xf32, #tpu.memory_space<vmem_shared>> -> memref<128x128xf32, #tpu.memory_space<vmem_shared>>
      tpu.wait_dma2 semaphore(%run_scoped3A : memref<!tpu.dma_semaphore, #tpu.memory_space<semaphore_mem>>) src(%arg8 : memref<128x128xf32, #tpu.memory_space<vmem>>) dst(%dma_wait3A_44 : memref<128x128xf32, #tpu.memory_space<vmem_shared>>)
      tpu.yield
    }) : () -> ()
    %barrier3A = arith.constant 0 : index
    tpu.barrier barrier_id(%barrier3A)
    %scan3A_27 = arith.constant 0 : i32
    %scan3A_28 = arith.constant 0 : i32
    %scan3A_29 = arith.constant 125 : i32
    %scan3A_30 = arith.addi %scan3A_28, %scan3A_29 : i32
    %scan3A_31 = arith.constant 1 : i32
    %scan3A_32 = scf.for %scan3A_39 = %scan3A_28 to %scan3A_30 step %scan3A_31 iter_args(%scan3A_40 = %scan3A_27) -> (i32)  : i32 {
      %mul3A_41 = arith.constant 10000 : i32
      %mul3A_42 = arith.muli %add3A, %mul3A_41 : i32
      %mul3A_43 = arith.constant 80 : i32
      %mul3A_44 = arith.muli %scan3A_39, %mul3A_43 : i32
      %add3A_45 = arith.addi %mul3A_42, %mul3A_44 : i32
      "tpu.region"() ({
        %run_scoped3A = tpu.sem_alloc : memref<!tpu.dma_semaphore, #tpu.memory_space<semaphore_mem>>
        %dma_start3A_53 = tpu.memref_slice %arg3[%add3A_45] : memref<640000xi32, #tpu.memory_space<hbm>> -> memref<80xi32, #tpu.memory_space<hbm>>
        %dma_start3A_54 = tpu.memref_slice %arg3[%add3A_45] : memref<640000xi32, #tpu.memory_space<hbm>> -> memref<80xi32, #tpu.memory_space<hbm>>
        tpu.enqueue_dma source(%dma_start3A_54 : memref<80xi32, #tpu.memory_space<hbm>>) target(%arg5 : memref<80xi32, #tpu.memory_space<vmem>>) target_semaphore(%run_scoped3A : memref<!tpu.dma_semaphore, #tpu.memory_space<semaphore_mem>>)
        %dma_wait3A_55 = tpu.memref_slice %arg3[%add3A_45] : memref<640000xi32, #tpu.memory_space<hbm>> -> memref<80xi32, #tpu.memory_space<hbm>>
        %dma_wait3A_56 = tpu.memref_slice %arg3[%add3A_45] : memref<640000xi32, #tpu.memory_space<hbm>> -> memref<80xi32, #tpu.memory_space<hbm>>
        tpu.wait_dma2 semaphore(%run_scoped3A : memref<!tpu.dma_semaphore, #tpu.memory_space<semaphore_mem>>) src(%dma_wait3A_56 : memref<80xi32, #tpu.memory_space<hbm>>) dst(%arg5 : memref<80xi32, #tpu.memory_space<vmem>>)
        tpu.yield
      }) : () -> ()
      %add3A_46 = arith.constant 320000 : i32
      %add3A_47 = arith.addi %add3A_46, %add3A_45 : i32
      "tpu.region"() ({
        %run_scoped3A = tpu.sem_alloc : memref<!tpu.dma_semaphore, #tpu.memory_space<semaphore_mem>>
        %dma_start3A_53 = tpu.memref_slice %arg3[%add3A_47] : memref<640000xi32, #tpu.memory_space<hbm>> -> memref<80xi32, #tpu.memory_space<hbm>>
        %dma_start3A_54 = tpu.memref_slice %arg3[%add3A_47] : memref<640000xi32, #tpu.memory_space<hbm>> -> memref<80xi32, #tpu.memory_space<hbm>>
        tpu.enqueue_dma source(%dma_start3A_54 : memref<80xi32, #tpu.memory_space<hbm>>) target(%arg6 : memref<80xi32, #tpu.memory_space<vmem>>) target_semaphore(%run_scoped3A : memref<!tpu.dma_semaphore, #tpu.memory_space<semaphore_mem>>)
        %dma_wait3A_55 = tpu.memref_slice %arg3[%add3A_47] : memref<640000xi32, #tpu.memory_space<hbm>> -> memref<80xi32, #tpu.memory_space<hbm>>
        %dma_wait3A_56 = tpu.memref_slice %arg3[%add3A_47] : memref<640000xi32, #tpu.memory_space<hbm>> -> memref<80xi32, #tpu.memory_space<hbm>>
        tpu.wait_dma2 semaphore(%run_scoped3A : memref<!tpu.dma_semaphore, #tpu.memory_space<semaphore_mem>>) src(%dma_wait3A_56 : memref<80xi32, #tpu.memory_space<hbm>>) dst(%arg6 : memref<80xi32, #tpu.memory_space<vmem>>)
        tpu.yield
      }) : () -> ()
      %dma_start3A = arith.constant 0 : i32
      %dma_start3A_48 = arith.constant 0 : i32
      %dma_start3A_49 = tpu.memref_slice %arg2[%dma_start3A, %dma_start3A_48] : memref<10000x128xf32, #tpu.memory_space<hbm>> -> memref<10000x128xf32, #tpu.memory_space<hbm>>
      tpu.enqueue_indirect_dma source(%dma_start3A_49 : memref<10000x128xf32, #tpu.memory_space<hbm>>) target(%arg7 : memref<80x128xf32, #tpu.memory_space<vmem>>) offsets(%arg5 : memref<80xi32, #tpu.memory_space<vmem>>) semaphore(%arg10 : memref<!tpu.dma_semaphore, #tpu.memory_space<semaphore_mem>>)
      %dma_wait3A = arith.constant 0 : i32
      %dma_wait3A_50 = arith.constant 0 : i32
      %dma_wait3A_51 = tpu.memref_slice %arg2[%dma_wait3A, %dma_wait3A_50] : memref<10000x128xf32, #tpu.memory_space<hbm>> -> memref<10000x128xf32, #tpu.memory_space<hbm>>
      tpu.wait_indirect_dma semaphore(%arg10 : memref<!tpu.dma_semaphore, #tpu.memory_space<semaphore_mem>>) src(%dma_wait3A_51 : memref<10000x128xf32, #tpu.memory_space<hbm>>) dst(%arg7 : memref<80x128xf32, #tpu.memory_space<vmem>>)
      "tpu.region"() ({
        %run_scoped3A = tpu.sem_alloc : memref<!tpu.dma_semaphore, #tpu.memory_space<semaphore_mem>>
        %dma_start3A_53 = arith.constant 0 : i32
        %dma_start3A_54 = arith.constant 0 : i32
        %dma_start3A_55 = tpu.memref_slice %arg9[%dma_start3A_53, %dma_start3A_54] : memref<10240x128xf32, #tpu.memory_space<vmem_shared>> -> memref<10240x128xf32, #tpu.memory_space<vmem_shared>>
        tpu.enqueue_indirect_dma source(%arg7 : memref<80x128xf32, #tpu.memory_space<vmem>>) target(%dma_start3A_55 : memref<10240x128xf32, #tpu.memory_space<vmem_shared>>) offsets(%arg6 : memref<80xi32, #tpu.memory_space<vmem>>) semaphore(%run_scoped3A : memref<!tpu.dma_semaphore, #tpu.memory_space<semaphore_mem>>) {add = true}
        %dma_wait3A_56 = arith.constant 0 : i32
        %dma_wait3A_57 = arith.constant 0 : i32
        %dma_wait3A_58 = tpu.memref_slice %arg9[%dma_wait3A_56, %dma_wait3A_57] : memref<10240x128xf32, #tpu.memory_space<vmem_shared>> -> memref<10240x128xf32, #tpu.memory_space<vmem_shared>>
        tpu.wait_indirect_dma semaphore(%run_scoped3A : memref<!tpu.dma_semaphore, #tpu.memory_space<semaphore_mem>>) src(%arg7 : memref<80x128xf32, #tpu.memory_space<vmem>>) dst(%dma_wait3A_58 : memref<10240x128xf32, #tpu.memory_space<vmem_shared>>)
        tpu.yield
      }) : () -> ()
      %scan3A_52 = arith.constant 0 : i32
      scf.yield %scan3A_52 : i32
    }
    %scan3A_33 = arith.constant 125 : i32
    %barrier3A_34 = arith.constant 0 : index
    tpu.barrier barrier_id(%barrier3A_34)
    %mul3A_35 = arith.constant 640 : i32
    %mul3A_36 = arith.muli %arg1, %mul3A_35 : i32
    %mul3A_37 = arith.constant 640 : i32
    %mul3A_38 = arith.muli %arg1, %mul3A_37 : i32
    "tpu.region"() ({
      %run_scoped3A = tpu.sem_alloc : memref<!tpu.dma_semaphore, #tpu.memory_space<semaphore_mem>>
      %dma_start3A = arith.constant 0 : i32
      %dma_start3A_39 = tpu.memref_slice %arg4[%arg0, %mul3A_38, %dma_start3A] : memref<2x10240x128xf32, #tpu.memory_space<hbm>> -> memref<1x640x128xf32, #tpu.memory_space<hbm>>
      %dma_start3A_40 = tpu.memref_squeeze %dma_start3A_39 : memref<1x640x128xf32, #tpu.memory_space<hbm>> -> memref<640x128xf32, #tpu.memory_space<hbm>>
      %dma_start3A_41 = arith.constant 0 : i32
      %dma_start3A_42 = tpu.memref_slice %arg9[%mul3A_36, %dma_start3A_41] : memref<10240x128xf32, #tpu.memory_space<vmem_shared>> -> memref<640x128xf32, #tpu.memory_space<vmem_shared>>
      tpu.enqueue_dma source(%dma_start3A_42 : memref<640x128xf32, #tpu.memory_space<vmem_shared>>) target(%dma_start3A_40 : memref<640x128xf32, #tpu.memory_space<hbm>>) target_semaphore(%run_scoped3A : memref<!tpu.dma_semaphore, #tpu.memory_space<semaphore_mem>>)
      %dma_wait3A = arith.constant 0 : i32
      %dma_wait3A_43 = tpu.memref_slice %arg4[%arg0, %mul3A_38, %dma_wait3A] : memref<2x10240x128xf32, #tpu.memory_space<hbm>> -> memref<1x640x128xf32, #tpu.memory_space<hbm>>
      %dma_wait3A_44 = tpu.memref_squeeze %dma_wait3A_43 : memref<1x640x128xf32, #tpu.memory_space<hbm>> -> memref<640x128xf32, #tpu.memory_space<hbm>>
      %dma_wait3A_45 = arith.constant 0 : i32
      %dma_wait3A_46 = tpu.memref_slice %arg9[%mul3A_36, %dma_wait3A_45] : memref<10240x128xf32, #tpu.memory_space<vmem_shared>> -> memref<640x128xf32, #tpu.memory_space<vmem_shared>>
      tpu.wait_dma2 semaphore(%run_scoped3A : memref<!tpu.dma_semaphore, #tpu.memory_space<semaphore_mem>>) src(%dma_wait3A_46 : memref<640x128xf32, #tpu.memory_space<vmem_shared>>) dst(%dma_wait3A_44 : memref<640x128xf32, #tpu.memory_space<hbm>>)
      tpu.yield
    }) : () -> ()
    return
  }
}

#map = affine_map<(d0, d1) -> (0, 0)>
#map1 = affine_map<(d0, d1) -> (0)>
#map2 = affine_map<(d0, d1) -> (0, 0, 0)>
module attributes {stable_mosaic.version = 14 : i64} {
  func.func @_agg_body(%arg0: i32, %arg1: i32, %arg2: memref<10000x128xf32, #tpu.memory_space<hbm>>, %arg3: memref<640000xi32, #tpu.memory_space<hbm>>, %arg4: memref<2x10240x128xf32, #tpu.memory_space<hbm>>, %arg5: memref<80xi32, #tpu.memory_space<vmem>>, %arg6: memref<80xi32, #tpu.memory_space<vmem>>, %arg7: memref<80x128xf32, #tpu.memory_space<vmem>>, %arg8: memref<128x128xf32, #tpu.memory_space<vmem>>, %arg9: memref<10240x128xf32, #tpu.memory_space<vmem_shared>>, %arg10: memref<!tpu.dma_semaphore, #tpu.memory_space<semaphore_mem>>) attributes {dimension_semantics = [#tpu.dimension_semantics<core_parallel>, #tpu.dimension_semantics<subcore_parallel>], iteration_bounds = array<i64: 2, 16>, scalar_prefetch = 0 : i64, scratch_operands = 6 : i64, tpu.core_type = #tpu.core_type<sc_vector_subcore>, window_params = [{transform_indices = #map}, {transform_indices = #map1}, {transform_indices = #map2}]} {
    %mul3A = arith.constant 2 : i32
    %mul3A_0 = arith.muli %arg1, %mul3A : i32
    %add3A = arith.addi %mul3A_0, %arg0 : i32
    %scan3A = arith.constant 0 : i32
    %scan3A_1 = arith.constant 0 : i32
    %scan3A_2 = arith.constant 128 : i32
    %scan3A_3 = arith.addi %scan3A_1, %scan3A_2 : i32
    %scan3A_4 = arith.constant 1 : i32
    %scan3A_5 = scf.for %scan3A_39 = %scan3A_1 to %scan3A_3 step %scan3A_4 iter_args(%scan3A_40 = %scan3A) -> (i32)  : i32 {
      %scan3A_41 = arith.constant 0 : i32
      %scan3A_42 = arith.constant 0 : i32
      %scan3A_43 = arith.constant 8 : i32
      %scan3A_44 = arith.addi %scan3A_42, %scan3A_43 : i32
      %scan3A_45 = arith.constant 1 : i32
      %scan3A_46 = scf.for %scan3A_48 = %scan3A_42 to %scan3A_44 step %scan3A_45 iter_args(%scan3A_49 = %scan3A_41) -> (i32)  : i32 {
        %broadcast_in_dim3A = arith.constant 0.000000e+00 : f32
        %broadcast_in_dim3A_50 = vector.broadcast %broadcast_in_dim3A : f32 to vector<16xf32>
        %mul3A_51 = arith.constant 16 : i32
        %mul3A_52 = arith.muli %scan3A_48, %mul3A_51 : i32
        %swap3A = arith.index_cast %scan3A_39 : i32 to index
        %swap3A_53 = arith.index_cast %mul3A_52 : i32 to index
        %swap3A_54 = tpu.vector_load %arg8[%swap3A, %swap3A_53] {strides = array<i32>} : memref<128x128xf32, #tpu.memory_space<vmem>>, vector<1x16xf32>,
        %swap3A_55 = vector.shape_cast %swap3A_54 : vector<1x16xf32> to vector<16xf32>
        %swap3A_56 = vector.shape_cast %broadcast_in_dim3A_50 : vector<16xf32> to vector<1x16xf32>
        tpu.vector_store %arg8[%swap3A, %swap3A_53], %swap3A_56 {strides = array<i32>} : memref<128x128xf32, #tpu.memory_space<vmem>>, vector<1x16xf32>,
        %scan3A_57 = arith.constant 0 : i32
        scf.yield %scan3A_57 : i32
      }
      %scan3A_47 = arith.constant 8 : i32
      scf.yield %scan3A_46 : i32
    }
    %scan3A_6 = arith.constant 128 : i32
    %mul3A_7 = arith.constant 640 : i32
    %mul3A_8 = arith.muli %arg1, %mul3A_7 : i32
    %add3A_9 = arith.constant 0 : i32
    %add3A_10 = arith.addi %mul3A_8, %add3A_9 : i32
    "tpu.region"() ({
      %run_scoped3A = tpu.sem_alloc : memref<!tpu.dma_semaphore, #tpu.memory_space<semaphore_mem>>
      %dma_start3A = arith.constant 0 : i32
      %dma_start3A_39 = tpu.memref_slice %arg9[%add3A_10, %dma_start3A] : memref<10240x128xf32, #tpu.memory_space<vmem_shared>> -> memref<128x128xf32, #tpu.memory_space<vmem_shared>>
      %dma_start3A_40 = arith.constant 0 : i32
      %dma_start3A_41 = tpu.memref_slice %arg9[%add3A_10, %dma_start3A_40] : memref<10240x128xf32, #tpu.memory_space<vmem_shared>> -> memref<128x128xf32, #tpu.memory_space<vmem_shared>>
      tpu.enqueue_dma source(%arg8 : memref<128x128xf32, #tpu.memory_space<vmem>>) target(%dma_start3A_41 : memref<128x128xf32, #tpu.memory_space<vmem_shared>>) target_semaphore(%run_scoped3A : memref<!tpu.dma_semaphore, #tpu.memory_space<semaphore_mem>>)
      %dma_wait3A = arith.constant 0 : i32
      %dma_wait3A_42 = tpu.memref_slice %arg9[%add3A_10, %dma_wait3A] : memref<10240x128xf32, #tpu.memory_space<vmem_shared>> -> memref<128x128xf32, #tpu.memory_space<vmem_shared>>
      %dma_wait3A_43 = arith.constant 0 : i32
      %dma_wait3A_44 = tpu.memref_slice %arg9[%add3A_10, %dma_wait3A_43] : memref<10240x128xf32, #tpu.memory_space<vmem_shared>> -> memref<128x128xf32, #tpu.memory_space<vmem_shared>>
      tpu.wait_dma2 semaphore(%run_scoped3A : memref<!tpu.dma_semaphore, #tpu.memory_space<semaphore_mem>>) src(%arg8 : memref<128x128xf32, #tpu.memory_space<vmem>>) dst(%dma_wait3A_44 : memref<128x128xf32, #tpu.memory_space<vmem_shared>>)
      tpu.yield
    }) : () -> ()
    %mul3A_11 = arith.constant 640 : i32
    %mul3A_12 = arith.muli %arg1, %mul3A_11 : i32
    %add3A_13 = arith.constant 128 : i32
    %add3A_14 = arith.addi %mul3A_12, %add3A_13 : i32
    "tpu.region"() ({
      %run_scoped3A = tpu.sem_alloc : memref<!tpu.dma_semaphore, #tpu.memory_space<semaphore_mem>>
      %dma_start3A = arith.constant 0 : i32
      %dma_start3A_39 = tpu.memref_slice %arg9[%add3A_14, %dma_start3A] : memref<10240x128xf32, #tpu.memory_space<vmem_shared>> -> memref<128x128xf32, #tpu.memory_space<vmem_shared>>
      %dma_start3A_40 = arith.constant 0 : i32
      %dma_start3A_41 = tpu.memref_slice %arg9[%add3A_14, %dma_start3A_40] : memref<10240x128xf32, #tpu.memory_space<vmem_shared>> -> memref<128x128xf32, #tpu.memory_space<vmem_shared>>
      tpu.enqueue_dma source(%arg8 : memref<128x128xf32, #tpu.memory_space<vmem>>) target(%dma_start3A_41 : memref<128x128xf32, #tpu.memory_space<vmem_shared>>) target_semaphore(%run_scoped3A : memref<!tpu.dma_semaphore, #tpu.memory_space<semaphore_mem>>)
      %dma_wait3A = arith.constant 0 : i32
      %dma_wait3A_42 = tpu.memref_slice %arg9[%add3A_14, %dma_wait3A] : memref<10240x128xf32, #tpu.memory_space<vmem_shared>> -> memref<128x128xf32, #tpu.memory_space<vmem_shared>>
      %dma_wait3A_43 = arith.constant 0 : i32
      %dma_wait3A_44 = tpu.memref_slice %arg9[%add3A_14, %dma_wait3A_43] : memref<10240x128xf32, #tpu.memory_space<vmem_shared>> -> memref<128x128xf32, #tpu.memory_space<vmem_shared>>
      tpu.wait_dma2 semaphore(%run_scoped3A : memref<!tpu.dma_semaphore, #tpu.memory_space<semaphore_mem>>) src(%arg8 : memref<128x128xf32, #tpu.memory_space<vmem>>) dst(%dma_wait3A_44 : memref<128x128xf32, #tpu.memory_space<vmem_shared>>)
      tpu.yield
    }) : () -> ()
    %mul3A_15 = arith.constant 640 : i32
    %mul3A_16 = arith.muli %arg1, %mul3A_15 : i32
    %add3A_17 = arith.constant 256 : i32
    %add3A_18 = arith.addi %mul3A_16, %add3A_17 : i32
    "tpu.region"() ({
      %run_scoped3A = tpu.sem_alloc : memref<!tpu.dma_semaphore, #tpu.memory_space<semaphore_mem>>
      %dma_start3A = arith.constant 0 : i32
      %dma_start3A_39 = tpu.memref_slice %arg9[%add3A_18, %dma_start3A] : memref<10240x128xf32, #tpu.memory_space<vmem_shared>> -> memref<128x128xf32, #tpu.memory_space<vmem_shared>>
      %dma_start3A_40 = arith.constant 0 : i32
      %dma_start3A_41 = tpu.memref_slice %arg9[%add3A_18, %dma_start3A_40] : memref<10240x128xf32, #tpu.memory_space<vmem_shared>> -> memref<128x128xf32, #tpu.memory_space<vmem_shared>>
      tpu.enqueue_dma source(%arg8 : memref<128x128xf32, #tpu.memory_space<vmem>>) target(%dma_start3A_41 : memref<128x128xf32, #tpu.memory_space<vmem_shared>>) target_semaphore(%run_scoped3A : memref<!tpu.dma_semaphore, #tpu.memory_space<semaphore_mem>>)
      %dma_wait3A = arith.constant 0 : i32
      %dma_wait3A_42 = tpu.memref_slice %arg9[%add3A_18, %dma_wait3A] : memref<10240x128xf32, #tpu.memory_space<vmem_shared>> -> memref<128x128xf32, #tpu.memory_space<vmem_shared>>
      %dma_wait3A_43 = arith.constant 0 : i32
      %dma_wait3A_44 = tpu.memref_slice %arg9[%add3A_18, %dma_wait3A_43] : memref<10240x128xf32, #tpu.memory_space<vmem_shared>> -> memref<128x128xf32, #tpu.memory_space<vmem_shared>>
      tpu.wait_dma2 semaphore(%run_scoped3A : memref<!tpu.dma_semaphore, #tpu.memory_space<semaphore_mem>>) src(%arg8 : memref<128x128xf32, #tpu.memory_space<vmem>>) dst(%dma_wait3A_44 : memref<128x128xf32, #tpu.memory_space<vmem_shared>>)
      tpu.yield
    }) : () -> ()
    %mul3A_19 = arith.constant 640 : i32
    %mul3A_20 = arith.muli %arg1, %mul3A_19 : i32
    %add3A_21 = arith.constant 384 : i32
    %add3A_22 = arith.addi %mul3A_20, %add3A_21 : i32
    "tpu.region"() ({
      %run_scoped3A = tpu.sem_alloc : memref<!tpu.dma_semaphore, #tpu.memory_space<semaphore_mem>>
      %dma_start3A = arith.constant 0 : i32
      %dma_start3A_39 = tpu.memref_slice %arg9[%add3A_22, %dma_start3A] : memref<10240x128xf32, #tpu.memory_space<vmem_shared>> -> memref<128x128xf32, #tpu.memory_space<vmem_shared>>
      %dma_start3A_40 = arith.constant 0 : i32
      %dma_start3A_41 = tpu.memref_slice %arg9[%add3A_22, %dma_start3A_40] : memref<10240x128xf32, #tpu.memory_space<vmem_shared>> -> memref<128x128xf32, #tpu.memory_space<vmem_shared>>
      tpu.enqueue_dma source(%arg8 : memref<128x128xf32, #tpu.memory_space<vmem>>) target(%dma_start3A_41 : memref<128x128xf32, #tpu.memory_space<vmem_shared>>) target_semaphore(%run_scoped3A : memref<!tpu.dma_semaphore, #tpu.memory_space<semaphore_mem>>)
      %dma_wait3A = arith.constant 0 : i32
      %dma_wait3A_42 = tpu.memref_slice %arg9[%add3A_22, %dma_wait3A] : memref<10240x128xf32, #tpu.memory_space<vmem_shared>> -> memref<128x128xf32, #tpu.memory_space<vmem_shared>>
      %dma_wait3A_43 = arith.constant 0 : i32
      %dma_wait3A_44 = tpu.memref_slice %arg9[%add3A_22, %dma_wait3A_43] : memref<10240x128xf32, #tpu.memory_space<vmem_shared>> -> memref<128x128xf32, #tpu.memory_space<vmem_shared>>
      tpu.wait_dma2 semaphore(%run_scoped3A : memref<!tpu.dma_semaphore, #tpu.memory_space<semaphore_mem>>) src(%arg8 : memref<128x128xf32, #tpu.memory_space<vmem>>) dst(%dma_wait3A_44 : memref<128x128xf32, #tpu.memory_space<vmem_shared>>)
      tpu.yield
    }) : () -> ()
    %mul3A_23 = arith.constant 640 : i32
    %mul3A_24 = arith.muli %arg1, %mul3A_23 : i32
    %add3A_25 = arith.constant 512 : i32
    %add3A_26 = arith.addi %mul3A_24, %add3A_25 : i32
    "tpu.region"() ({
      %run_scoped3A = tpu.sem_alloc : memref<!tpu.dma_semaphore, #tpu.memory_space<semaphore_mem>>
      %dma_start3A = arith.constant 0 : i32
      %dma_start3A_39 = tpu.memref_slice %arg9[%add3A_26, %dma_start3A] : memref<10240x128xf32, #tpu.memory_space<vmem_shared>> -> memref<128x128xf32, #tpu.memory_space<vmem_shared>>
      %dma_start3A_40 = arith.constant 0 : i32
      %dma_start3A_41 = tpu.memref_slice %arg9[%add3A_26, %dma_start3A_40] : memref<10240x128xf32, #tpu.memory_space<vmem_shared>> -> memref<128x128xf32, #tpu.memory_space<vmem_shared>>
      tpu.enqueue_dma source(%arg8 : memref<128x128xf32, #tpu.memory_space<vmem>>) target(%dma_start3A_41 : memref<128x128xf32, #tpu.memory_space<vmem_shared>>) target_semaphore(%run_scoped3A : memref<!tpu.dma_semaphore, #tpu.memory_space<semaphore_mem>>)
      %dma_wait3A = arith.constant 0 : i32
      %dma_wait3A_42 = tpu.memref_slice %arg9[%add3A_26, %dma_wait3A] : memref<10240x128xf32, #tpu.memory_space<vmem_shared>> -> memref<128x128xf32, #tpu.memory_space<vmem_shared>>
      %dma_wait3A_43 = arith.constant 0 : i32
      %dma_wait3A_44 = tpu.memref_slice %arg9[%add3A_26, %dma_wait3A_43] : memref<10240x128xf32, #tpu.memory_space<vmem_shared>> -> memref<128x128xf32, #tpu.memory_space<vmem_shared>>
      tpu.wait_dma2 semaphore(%run_scoped3A : memref<!tpu.dma_semaphore, #tpu.memory_space<semaphore_mem>>) src(%arg8 : memref<128x128xf32, #tpu.memory_space<vmem>>) dst(%dma_wait3A_44 : memref<128x128xf32, #tpu.memory_space<vmem_shared>>)
      tpu.yield
    }) : () -> ()
    %barrier3A = arith.constant 0 : index
    tpu.barrier barrier_id(%barrier3A)
    %scan3A_27 = arith.constant 0 : i32
    %scan3A_28 = arith.constant 0 : i32
    %scan3A_29 = arith.constant 125 : i32
    %scan3A_30 = arith.addi %scan3A_28, %scan3A_29 : i32
    %scan3A_31 = arith.constant 1 : i32
    %scan3A_32 = scf.for %scan3A_39 = %scan3A_28 to %scan3A_30 step %scan3A_31 iter_args(%scan3A_40 = %scan3A_27) -> (i32)  : i32 {
      %mul3A_41 = arith.constant 10000 : i32
      %mul3A_42 = arith.muli %add3A, %mul3A_41 : i32
      %mul3A_43 = arith.constant 80 : i32
      %mul3A_44 = arith.muli %scan3A_39, %mul3A_43 : i32
      %add3A_45 = arith.addi %mul3A_42, %mul3A_44 : i32
      "tpu.region"() ({
        %run_scoped3A = tpu.sem_alloc : memref<!tpu.dma_semaphore, #tpu.memory_space<semaphore_mem>>
        %dma_start3A_53 = tpu.memref_slice %arg3[%add3A_45] : memref<640000xi32, #tpu.memory_space<hbm>> -> memref<80xi32, #tpu.memory_space<hbm>>
        %dma_start3A_54 = tpu.memref_slice %arg3[%add3A_45] : memref<640000xi32, #tpu.memory_space<hbm>> -> memref<80xi32, #tpu.memory_space<hbm>>
        tpu.enqueue_dma source(%dma_start3A_54 : memref<80xi32, #tpu.memory_space<hbm>>) target(%arg5 : memref<80xi32, #tpu.memory_space<vmem>>) target_semaphore(%run_scoped3A : memref<!tpu.dma_semaphore, #tpu.memory_space<semaphore_mem>>)
        %dma_wait3A_55 = tpu.memref_slice %arg3[%add3A_45] : memref<640000xi32, #tpu.memory_space<hbm>> -> memref<80xi32, #tpu.memory_space<hbm>>
        %dma_wait3A_56 = tpu.memref_slice %arg3[%add3A_45] : memref<640000xi32, #tpu.memory_space<hbm>> -> memref<80xi32, #tpu.memory_space<hbm>>
        tpu.wait_dma2 semaphore(%run_scoped3A : memref<!tpu.dma_semaphore, #tpu.memory_space<semaphore_mem>>) src(%dma_wait3A_56 : memref<80xi32, #tpu.memory_space<hbm>>) dst(%arg5 : memref<80xi32, #tpu.memory_space<vmem>>)
        tpu.yield
      }) : () -> ()
      %add3A_46 = arith.constant 320000 : i32
      %add3A_47 = arith.addi %add3A_46, %add3A_45 : i32
      "tpu.region"() ({
        %run_scoped3A = tpu.sem_alloc : memref<!tpu.dma_semaphore, #tpu.memory_space<semaphore_mem>>
        %dma_start3A_53 = tpu.memref_slice %arg3[%add3A_47] : memref<640000xi32, #tpu.memory_space<hbm>> -> memref<80xi32, #tpu.memory_space<hbm>>
        %dma_start3A_54 = tpu.memref_slice %arg3[%add3A_47] : memref<640000xi32, #tpu.memory_space<hbm>> -> memref<80xi32, #tpu.memory_space<hbm>>
        tpu.enqueue_dma source(%dma_start3A_54 : memref<80xi32, #tpu.memory_space<hbm>>) target(%arg6 : memref<80xi32, #tpu.memory_space<vmem>>) target_semaphore(%run_scoped3A : memref<!tpu.dma_semaphore, #tpu.memory_space<semaphore_mem>>)
        %dma_wait3A_55 = tpu.memref_slice %arg3[%add3A_47] : memref<640000xi32, #tpu.memory_space<hbm>> -> memref<80xi32, #tpu.memory_space<hbm>>
        %dma_wait3A_56 = tpu.memref_slice %arg3[%add3A_47] : memref<640000xi32, #tpu.memory_space<hbm>> -> memref<80xi32, #tpu.memory_space<hbm>>
        tpu.wait_dma2 semaphore(%run_scoped3A : memref<!tpu.dma_semaphore, #tpu.memory_space<semaphore_mem>>) src(%dma_wait3A_56 : memref<80xi32, #tpu.memory_space<hbm>>) dst(%arg6 : memref<80xi32, #tpu.memory_space<vmem>>)
        tpu.yield
      }) : () -> ()
      %dma_start3A = arith.constant 0 : i32
      %dma_start3A_48 = arith.constant 0 : i32
      %dma_start3A_49 = tpu.memref_slice %arg2[%dma_start3A, %dma_start3A_48] : memref<10000x128xf32, #tpu.memory_space<hbm>> -> memref<10000x128xf32, #tpu.memory_space<hbm>>
      tpu.enqueue_indirect_dma source(%dma_start3A_49 : memref<10000x128xf32, #tpu.memory_space<hbm>>) target(%arg7 : memref<80x128xf32, #tpu.memory_space<vmem>>) offsets(%arg5 : memref<80xi32, #tpu.memory_space<vmem>>) semaphore(%arg10 : memref<!tpu.dma_semaphore, #tpu.memory_space<semaphore_mem>>)
      %dma_wait3A = arith.constant 0 : i32
      %dma_wait3A_50 = arith.constant 0 : i32
      %dma_wait3A_51 = tpu.memref_slice %arg2[%dma_wait3A, %dma_wait3A_50] : memref<10000x128xf32, #tpu.memory_space<hbm>> -> memref<10000x128xf32, #tpu.memory_space<hbm>>
      tpu.wait_indirect_dma semaphore(%arg10 : memref<!tpu.dma_semaphore, #tpu.memory_space<semaphore_mem>>) src(%dma_wait3A_51 : memref<10000x128xf32, #tpu.memory_space<hbm>>) dst(%arg7 : memref<80x128xf32, #tpu.memory_space<vmem>>)
      "tpu.region"() ({
        %run_scoped3A = tpu.sem_alloc : memref<!tpu.dma_semaphore, #tpu.memory_space<semaphore_mem>>
        %dma_start3A_53 = arith.constant 0 : i32
        %dma_start3A_54 = arith.constant 0 : i32
        %dma_start3A_55 = tpu.memref_slice %arg9[%dma_start3A_53, %dma_start3A_54] : memref<10240x128xf32, #tpu.memory_space<vmem_shared>> -> memref<10240x128xf32, #tpu.memory_space<vmem_shared>>
        tpu.enqueue_indirect_dma source(%arg7 : memref<80x128xf32, #tpu.memory_space<vmem>>) target(%dma_start3A_55 : memref<10240x128xf32, #tpu.memory_space<vmem_shared>>) offsets(%arg6 : memref<80xi32, #tpu.memory_space<vmem>>) semaphore(%run_scoped3A : memref<!tpu.dma_semaphore, #tpu.memory_space<semaphore_mem>>) {add = true}
        %dma_wait3A_56 = arith.constant 0 : i32
        %dma_wait3A_57 = arith.constant 0 : i32
        %dma_wait3A_58 = tpu.memref_slice %arg9[%dma_wait3A_56, %dma_wait3A_57] : memref<10240x128xf32, #tpu.memory_space<vmem_shared>> -> memref<10240x128xf32, #tpu.memory_space<vmem_shared>>
        tpu.wait_indirect_dma semaphore(%run_scoped3A : memref<!tpu.dma_semaphore, #tpu.memory_space<semaphore_mem>>) src(%arg7 : memref<80x128xf32, #tpu.memory_space<vmem>>) dst(%dma_wait3A_58 : memref<10240x128xf32, #tpu.memory_space<vmem_shared>>)
        tpu.yield
      }) : () -> ()
      %scan3A_52 = arith.constant 0 : i32
      scf.yield %scan3A_52 : i32
    }
    %scan3A_33 = arith.constant 125 : i32
    %barrier3A_34 = arith.constant 0 : index
    tpu.barrier barrier_id(%barrier3A_34)
    %mul3A_35 = arith.constant 640 : i32
    %mul3A_36 = arith.muli %arg1, %mul3A_35 : i32
    %mul3A_37 = arith.constant 640 : i32
    %mul3A_38 = arith.muli %arg1, %mul3A_37 : i32
    "tpu.region"() ({
      %run_scoped3A = tpu.sem_alloc : memref<!tpu.dma_semaphore, #tpu.memory_space<semaphore_mem>>
      %dma_start3A = arith.constant 0 : i32
      %dma_start3A_39 = tpu.memref_slice %arg4[%arg0, %mul3A_38, %dma_start3A] : memref<2x10240x128xf32, #tpu.memory_space<hbm>> -> memref<1x640x128xf32, #tpu.memory_space<hbm>>
      %dma_start3A_40 = tpu.memref_squeeze %dma_start3A_39 : memref<1x640x128xf32, #tpu.memory_space<hbm>> -> memref<640x128xf32, #tpu.memory_space<hbm>>
      %dma_start3A_41 = arith.constant 0 : i32
      %dma_start3A_42 = tpu.memref_slice %arg9[%mul3A_36, %dma_start3A_41] : memref<10240x128xf32, #tpu.memory_space<vmem_shared>> -> memref<640x128xf32, #tpu.memory_space<vmem_shared>>
      tpu.enqueue_dma source(%dma_start3A_42 : memref<640x128xf32, #tpu.memory_space<vmem_shared>>) target(%dma_start3A_40 : memref<640x128xf32, #tpu.memory_space<hbm>>) target_semaphore(%run_scoped3A : memref<!tpu.dma_semaphore, #tpu.memory_space<semaphore_mem>>)
      %dma_wait3A = arith.constant 0 : i32
      %dma_wait3A_43 = tpu.memref_slice %arg4[%arg0, %mul3A_38, %dma_wait3A] : memref<2x10240x128xf32, #tpu.memory_space<hbm>> -> memref<1x640x128xf32, #tpu.memory_space<hbm>>
      %dma_wait3A_44 = tpu.memref_squeeze %dma_wait3A_43 : memref<1x640x128xf32, #tpu.memory_space<hbm>> -> memref<640x128xf32, #tpu.memory_space<hbm>>
      %dma_wait3A_45 = arith.constant 0 : i32
      %dma_wait3A_46 = tpu.memref_slice %arg9[%mul3A_36, %dma_wait3A_45] : memref<10240x128xf32, #tpu.memory_space<vmem_shared>> -> memref<640x128xf32, #tpu.memory_space<vmem_shared>>
      tpu.wait_dma2 semaphore(%run_scoped3A : memref<!tpu.dma_semaphore, #tpu.memory_space<semaphore_mem>>) src(%dma_wait3A_46 : memref<640x128xf32, #tpu.memory_space<vmem_shared>>) dst(%dma_wait3A_44 : memref<640x128xf32, #tpu.memory_space<hbm>>)
      tpu.yield
    }) : () -> ()
    return
  }
}

module attributes {stable_mosaic.version = 14 : i64} {
  func.func @_mlp_body(%arg0: i32, %arg1: memref<1x1000x128xf32, #tpu.memory_space<vmem>>, %arg2: memref<1x1000x128xf32, #tpu.memory_space<vmem>>, %arg3: memref<1000x128xf32, #tpu.memory_space<vmem>>, %arg4: memref<128x128xf32, #tpu.memory_space<vmem>>, %arg5: memref<128xf32, #tpu.memory_space<vmem>>, %arg6: memref<128x128xf32, #tpu.memory_space<vmem>>, %arg7: memref<128xf32, #tpu.memory_space<vmem>>, %arg8: memref<1000x128xf32, #tpu.memory_space<vmem>>) attributes {dimension_semantics = [#tpu.dimension_semantics<arbitrary>], iteration_bounds = array<i64: 10>, scalar_prefetch = 0 : i64, scratch_operands = 0 : i64, tpu.core_type = #tpu.core_type<tc>, window_params = [{transform_indices = @transform_0, window_bounds = array<i64: 1, 1000, 128>}, {transform_indices = @transform_1, window_bounds = array<i64: 1, 1000, 128>}, {transform_indices = @transform_2, window_bounds = array<i64: 1000, 128>}, {pipeline_mode = #tpu.pipeline_mode<synchronous>, transform_indices = @transform_3, window_bounds = array<i64: 128, 128>}, {pipeline_mode = #tpu.pipeline_mode<synchronous>, transform_indices = @transform_4, window_bounds = array<i64: 128>}, {pipeline_mode = #tpu.pipeline_mode<synchronous>, transform_indices = @transform_5, window_bounds = array<i64: 128, 128>}, {pipeline_mode = #tpu.pipeline_mode<synchronous>, transform_indices = @transform_6, window_bounds = array<i64: 128>}, {transform_indices = @transform_7, window_bounds = array<i64: 1000, 128>}]} {
    %get3A = arith.constant 0 : index
    %get3A_0 = arith.constant 0 : index
    %get3A_1 = vector.load %arg3[%get3A, %get3A_0] : memref<1000x128xf32, #tpu.memory_space<vmem>>, vector<1000x128xf32>
    %get3A_2 = arith.constant 0 : index
    %get3A_3 = arith.constant 0 : index
    %get3A_4 = arith.constant 0 : index
    %get3A_5 = vector.load %arg1[%get3A_2, %get3A_3, %get3A_4] : memref<1x1000x128xf32, #tpu.memory_space<vmem>>, vector<1x1000x128xf32>
    %get3A_6 = vector.shape_cast %get3A_5 : vector<1x1000x128xf32> to vector<1000x128xf32>
    %add3A = arith.addf %get3A_1, %get3A_6 : vector<1000x128xf32>
    %get3A_7 = arith.constant 0 : index
    %get3A_8 = arith.constant 0 : index
    %get3A_9 = arith.constant 0 : index
    %get3A_10 = vector.load %arg2[%get3A_7, %get3A_8, %get3A_9] : memref<1x1000x128xf32, #tpu.memory_space<vmem>>, vector<1x1000x128xf32>
    %get3A_11 = vector.shape_cast %get3A_10 : vector<1x1000x128xf32> to vector<1000x128xf32>
    %add3A_12 = arith.addf %add3A, %get3A_11 : vector<1000x128xf32>
    %get3A_13 = arith.constant 0 : index
    %get3A_14 = arith.constant 0 : index
    %get3A_15 = vector.load %arg4[%get3A_13, %get3A_14] : memref<128x128xf32, #tpu.memory_space<vmem>>, vector<128x128xf32>
    %dot_general3A = arith.constant dense<0.000000e+00> : vector<1000x128xf32>
    %dot_general3A_16 = tpu.matmul %add3A_12, %get3A_15, %dot_general3A {dimension_numbers = #tpu.dot_dimension_numbers<[1], [0], [0], [1], [0, 0, 1, 1], [], []>, transpose_lhs_hint = false} : vector<1000x128xf32>, vector<128x128xf32>, vector<1000x128xf32> -> vector<1000x128xf32>
    %get3A_17 = arith.constant 0 : index
    %get3A_18 = vector.load %arg5[%get3A_17] : memref<128xf32, #tpu.memory_space<vmem>>, vector<128xf32>
    %broadcast_in_dim3A = vector.shape_cast %get3A_18 : vector<128xf32> to vector<1x128xf32>
    %add3A_19 = vector.broadcast %broadcast_in_dim3A : vector<1x128xf32> to vector<1000x128xf32>
    %add3A_20 = arith.addf %dot_general3A_16, %add3A_19 : vector<1000x128xf32>
    %max3A = arith.constant 0.000000e+00 : f32
    %max3A_21 = vector.broadcast %max3A : f32 to vector<1000x128xf32>
    %max3A_22 = arith.maximumf %add3A_20, %max3A_21 : vector<1000x128xf32>
    %get3A_23 = arith.constant 0 : index
    %get3A_24 = arith.constant 0 : index
    %get3A_25 = vector.load %arg6[%get3A_23, %get3A_24] : memref<128x128xf32, #tpu.memory_space<vmem>>, vector<128x128xf32>
    %dot_general3A_26 = arith.constant dense<0.000000e+00> : vector<1000x128xf32>
    %dot_general3A_27 = tpu.matmul %max3A_22, %get3A_25, %dot_general3A_26 {dimension_numbers = #tpu.dot_dimension_numbers<[1], [0], [0], [1], [0, 0, 1, 1], [], []>, transpose_lhs_hint = false} : vector<1000x128xf32>, vector<128x128xf32>, vector<1000x128xf32> -> vector<1000x128xf32>
    %get3A_28 = arith.constant 0 : index
    %get3A_29 = vector.load %arg7[%get3A_28] : memref<128xf32, #tpu.memory_space<vmem>>, vector<128xf32>
    %broadcast_in_dim3A_30 = vector.shape_cast %get3A_29 : vector<128xf32> to vector<1x128xf32>
    %add3A_31 = vector.broadcast %broadcast_in_dim3A_30 : vector<1x128xf32> to vector<1000x128xf32>
    %add3A_32 = arith.addf %dot_general3A_27, %add3A_31 : vector<1000x128xf32>
    %max3A_33 = arith.constant 0.000000e+00 : f32
    %max3A_34 = vector.broadcast %max3A_33 : f32 to vector<1000x128xf32>
    %max3A_35 = arith.maximumf %add3A_32, %max3A_34 : vector<1000x128xf32>
    %get3A_36 = arith.constant 0 : index
    %get3A_37 = arith.constant 0 : index
    %get3A_38 = vector.load %arg3[%get3A_36, %get3A_37] : memref<1000x128xf32, #tpu.memory_space<vmem>>, vector<1000x128xf32>
    %add3A_39 = arith.addf %max3A_35, %get3A_38 : vector<1000x128xf32>
    %swap3A = arith.constant 0 : index
    %swap3A_40 = arith.constant 0 : index
    %swap3A_41 = vector.load %arg8[%swap3A, %swap3A_40] : memref<1000x128xf32, #tpu.memory_space<vmem>>, vector<1000x128xf32>
    tpu.vector_store %arg8[%swap3A, %swap3A_40], %add3A_39 {strides = array<i32>} : memref<1000x128xf32, #tpu.memory_space<vmem>>, vector<1000x128xf32>,
    return
  }
  func.func @transform_0(%arg0: i32) -> (i32, i32, i32) {
    %c0_i32 = arith.constant 0 : i32
    %c0_i32_0 = arith.constant 0 : i32
    %c0_i32_1 = arith.constant 0 : i32
    return %c0_i32, %arg0, %c0_i32_0 : i32, i32, i32
  }
  func.func @transform_1(%arg0: i32) -> (i32, i32, i32) {
    %c1_i32 = arith.constant 1 : i32
    %c0_i32 = arith.constant 0 : i32
    %c0_i32_0 = arith.constant 0 : i32
    return %c1_i32, %arg0, %c0_i32 : i32, i32, i32
  }
  func.func @transform_2(%arg0: i32) -> (i32, i32) {
    %c0_i32 = arith.constant 0 : i32
    %c0_i32_0 = arith.constant 0 : i32
    return %arg0, %c0_i32 : i32, i32
  }
  func.func @transform_3(%arg0: i32) -> (i32, i32) {
    %c0_i32 = arith.constant 0 : i32
    %c0_i32_0 = arith.constant 0 : i32
    %c0_i32_1 = arith.constant 0 : i32
    return %c0_i32, %c0_i32_0 : i32, i32
  }
  func.func @transform_4(%arg0: i32) -> i32 {
    %c0_i32 = arith.constant 0 : i32
    %c0_i32_0 = arith.constant 0 : i32
    return %c0_i32 : i32
  }
  func.func @transform_5(%arg0: i32) -> (i32, i32) {
    %c0_i32 = arith.constant 0 : i32
    %c0_i32_0 = arith.constant 0 : i32
    %c0_i32_1 = arith.constant 0 : i32
    return %c0_i32, %c0_i32_0 : i32, i32
  }
  func.func @transform_6(%arg0: i32) -> i32 {
    %c0_i32 = arith.constant 0 : i32
    %c0_i32_0 = arith.constant 0 : i32
    return %c0_i32 : i32
  }
  func.func @transform_7(%arg0: i32) -> (i32, i32) {
    %c0_i32 = arith.constant 0 : i32
    %c0_i32_0 = arith.constant 0 : i32
    return %arg0, %c0_i32 : i32, i32
  }
}

module attributes {stable_mosaic.version = 14 : i64} {
  func.func @_mlp_body(%arg0: i32, %arg1: memref<1x1000x128xf32, #tpu.memory_space<vmem>>, %arg2: memref<1x1000x128xf32, #tpu.memory_space<vmem>>, %arg3: memref<1000x128xf32, #tpu.memory_space<vmem>>, %arg4: memref<128x128xf32, #tpu.memory_space<vmem>>, %arg5: memref<128xf32, #tpu.memory_space<vmem>>, %arg6: memref<128x64xf32, #tpu.memory_space<vmem>>, %arg7: memref<64xf32, #tpu.memory_space<vmem>>, %arg8: memref<1000x64xf32, #tpu.memory_space<vmem>>) attributes {dimension_semantics = [#tpu.dimension_semantics<arbitrary>], iteration_bounds = array<i64: 10>, scalar_prefetch = 0 : i64, scratch_operands = 0 : i64, tpu.core_type = #tpu.core_type<tc>, window_params = [{transform_indices = @transform_0, window_bounds = array<i64: 1, 1000, 128>}, {transform_indices = @transform_1, window_bounds = array<i64: 1, 1000, 128>}, {transform_indices = @transform_2, window_bounds = array<i64: 1000, 128>}, {pipeline_mode = #tpu.pipeline_mode<synchronous>, transform_indices = @transform_3, window_bounds = array<i64: 128, 128>}, {pipeline_mode = #tpu.pipeline_mode<synchronous>, transform_indices = @transform_4, window_bounds = array<i64: 128>}, {pipeline_mode = #tpu.pipeline_mode<synchronous>, transform_indices = @transform_5, window_bounds = array<i64: 128, 64>}, {pipeline_mode = #tpu.pipeline_mode<synchronous>, transform_indices = @transform_6, window_bounds = array<i64: 64>}, {transform_indices = @transform_7, window_bounds = array<i64: 1000, 64>}]} {
    %get3A = arith.constant 0 : index
    %get3A_0 = arith.constant 0 : index
    %get3A_1 = vector.load %arg3[%get3A, %get3A_0] : memref<1000x128xf32, #tpu.memory_space<vmem>>, vector<1000x128xf32>
    %get3A_2 = arith.constant 0 : index
    %get3A_3 = arith.constant 0 : index
    %get3A_4 = arith.constant 0 : index
    %get3A_5 = vector.load %arg1[%get3A_2, %get3A_3, %get3A_4] : memref<1x1000x128xf32, #tpu.memory_space<vmem>>, vector<1x1000x128xf32>
    %get3A_6 = vector.shape_cast %get3A_5 : vector<1x1000x128xf32> to vector<1000x128xf32>
    %add3A = arith.addf %get3A_1, %get3A_6 : vector<1000x128xf32>
    %get3A_7 = arith.constant 0 : index
    %get3A_8 = arith.constant 0 : index
    %get3A_9 = arith.constant 0 : index
    %get3A_10 = vector.load %arg2[%get3A_7, %get3A_8, %get3A_9] : memref<1x1000x128xf32, #tpu.memory_space<vmem>>, vector<1x1000x128xf32>
    %get3A_11 = vector.shape_cast %get3A_10 : vector<1x1000x128xf32> to vector<1000x128xf32>
    %add3A_12 = arith.addf %add3A, %get3A_11 : vector<1000x128xf32>
    %get3A_13 = arith.constant 0 : index
    %get3A_14 = arith.constant 0 : index
    %get3A_15 = vector.load %arg4[%get3A_13, %get3A_14] : memref<128x128xf32, #tpu.memory_space<vmem>>, vector<128x128xf32>
    %dot_general3A = arith.constant dense<0.000000e+00> : vector<1000x128xf32>
    %dot_general3A_16 = tpu.matmul %add3A_12, %get3A_15, %dot_general3A {dimension_numbers = #tpu.dot_dimension_numbers<[1], [0], [0], [1], [0, 0, 1, 1], [], []>, transpose_lhs_hint = false} : vector<1000x128xf32>, vector<128x128xf32>, vector<1000x128xf32> -> vector<1000x128xf32>
    %get3A_17 = arith.constant 0 : index
    %get3A_18 = vector.load %arg5[%get3A_17] : memref<128xf32, #tpu.memory_space<vmem>>, vector<128xf32>
    %broadcast_in_dim3A = vector.shape_cast %get3A_18 : vector<128xf32> to vector<1x128xf32>
    %add3A_19 = vector.broadcast %broadcast_in_dim3A : vector<1x128xf32> to vector<1000x128xf32>
    %add3A_20 = arith.addf %dot_general3A_16, %add3A_19 : vector<1000x128xf32>
    %max3A = arith.constant 0.000000e+00 : f32
    %max3A_21 = vector.broadcast %max3A : f32 to vector<1000x128xf32>
    %max3A_22 = arith.maximumf %add3A_20, %max3A_21 : vector<1000x128xf32>
    %get3A_23 = arith.constant 0 : index
    %get3A_24 = arith.constant 0 : index
    %get3A_25 = vector.load %arg6[%get3A_23, %get3A_24] : memref<128x64xf32, #tpu.memory_space<vmem>>, vector<128x64xf32>
    %dot_general3A_26 = arith.constant dense<0.000000e+00> : vector<1000x64xf32>
    %dot_general3A_27 = tpu.matmul %max3A_22, %get3A_25, %dot_general3A_26 {dimension_numbers = #tpu.dot_dimension_numbers<[1], [0], [0], [1], [0, 0, 1, 1], [], []>, transpose_lhs_hint = false} : vector<1000x128xf32>, vector<128x64xf32>, vector<1000x64xf32> -> vector<1000x64xf32>
    %get3A_28 = arith.constant 0 : index
    %get3A_29 = vector.load %arg7[%get3A_28] : memref<64xf32, #tpu.memory_space<vmem>>, vector<64xf32>
    %broadcast_in_dim3A_30 = vector.shape_cast %get3A_29 : vector<64xf32> to vector<1x64xf32>
    %add3A_31 = vector.broadcast %broadcast_in_dim3A_30 : vector<1x64xf32> to vector<1000x64xf32>
    %add3A_32 = arith.addf %dot_general3A_27, %add3A_31 : vector<1000x64xf32>
    %reduce_max3A = arith.constant dense<0xFF800000> : vector<1000xf32>
    %reduce_max3A_33 = vector.multi_reduction <maximumf>, %add3A_32, %reduce_max3A [1] : vector<1000x64xf32> to vector<1000xf32>
    %broadcast_in_dim3A_34 = vector.shape_cast %reduce_max3A_33 : vector<1000xf32> to vector<1000x1xf32>
    %sub3A = vector.broadcast %broadcast_in_dim3A_34 : vector<1000x1xf32> to vector<1000x64xf32>
    %sub3A_35 = arith.subf %add3A_32, %sub3A : vector<1000x64xf32>
    %exp3A = math.exp %sub3A_35 : vector<1000x64xf32>
    %reduce_sum3A = arith.constant dense<0.000000e+00> : vector<1000xf32>
    %reduce_sum3A_36 = vector.multi_reduction <add>, %exp3A, %reduce_sum3A [1] : vector<1000x64xf32> to vector<1000xf32>
    %broadcast_in_dim3A_37 = vector.shape_cast %reduce_sum3A_36 : vector<1000xf32> to vector<1000x1xf32>
    %log3A = math.log %broadcast_in_dim3A_37 : vector<1000x1xf32>
    %add3A_38 = arith.addf %broadcast_in_dim3A_34, %log3A : vector<1000x1xf32>
    %sub3A_39 = vector.broadcast %add3A_38 : vector<1000x1xf32> to vector<1000x64xf32>
    %sub3A_40 = arith.subf %add3A_32, %sub3A_39 : vector<1000x64xf32>
    %swap3A = arith.constant 0 : index
    %swap3A_41 = arith.constant 0 : index
    %swap3A_42 = vector.load %arg8[%swap3A, %swap3A_41] : memref<1000x64xf32, #tpu.memory_space<vmem>>, vector<1000x64xf32>
    tpu.vector_store %arg8[%swap3A, %swap3A_41], %sub3A_40 {strides = array<i32>} : memref<1000x64xf32, #tpu.memory_space<vmem>>, vector<1000x64xf32>,
    return
  }
  func.func @transform_0(%arg0: i32) -> (i32, i32, i32) {
    %c0_i32 = arith.constant 0 : i32
    %c0_i32_0 = arith.constant 0 : i32
    %c0_i32_1 = arith.constant 0 : i32
    return %c0_i32, %arg0, %c0_i32_0 : i32, i32, i32
  }
  func.func @transform_1(%arg0: i32) -> (i32, i32, i32) {
    %c1_i32 = arith.constant 1 : i32
    %c0_i32 = arith.constant 0 : i32
    %c0_i32_0 = arith.constant 0 : i32
    return %c1_i32, %arg0, %c0_i32 : i32, i32, i32
  }
  func.func @transform_2(%arg0: i32) -> (i32, i32) {
    %c0_i32 = arith.constant 0 : i32
    %c0_i32_0 = arith.constant 0 : i32
    return %arg0, %c0_i32 : i32, i32
  }
  func.func @transform_3(%arg0: i32) -> (i32, i32) {
    %c0_i32 = arith.constant 0 : i32
    %c0_i32_0 = arith.constant 0 : i32
    %c0_i32_1 = arith.constant 0 : i32
    return %c0_i32, %c0_i32_0 : i32, i32
  }
  func.func @transform_4(%arg0: i32) -> i32 {
    %c0_i32 = arith.constant 0 : i32
    %c0_i32_0 = arith.constant 0 : i32
    return %c0_i32 : i32
  }
  func.func @transform_5(%arg0: i32) -> (i32, i32) {
    %c0_i32 = arith.constant 0 : i32
    %c0_i32_0 = arith.constant 0 : i32
    %c0_i32_1 = arith.constant 0 : i32
    return %c0_i32, %c0_i32_0 : i32, i32
  }
  func.func @transform_6(%arg0: i32) -> i32 {
    %c0_i32 = arith.constant 0 : i32
    %c0_i32_0 = arith.constant 0 : i32
    return %c0_i32 : i32
  }
  func.func @transform_7(%arg0: i32) -> (i32, i32) {
    %c0_i32 = arith.constant 0 : i32
    %c0_i32_0 = arith.constant 0 : i32
    return %arg0, %c0_i32 : i32, i32
  }
}

</mosaic_0001>

<sc_bundles>
// kernel: kernel.11.cloned.1.call-start
scs
__scs_entry_jumppad:
0x0: {  	(pc) =	sbr.rel $0x88, $3  }
0x1: {  	(tag) =	ssettag $0x0;
	lr =	simm.s32 $0x1  }
0x2: {  	[smem:$0x3F93] =	sst lr;
	_ =	strace $0xD0000000  }
0x3: {  	_ = 	snop  }
0x4: {  	_ = 	snop  }
0x5: {  	_ = 	snop  }
0x6: {  	_ = 	snop  }
0x7: {  	_ = 	snop  }
__scs_overlays_trampoline_lowered:
0x8: {  	[smem:$0x3FA2] =	sst s0  }
0x9: {  	[smem:$0x3FA3] =	sst s1  }
0xa: {  	[smem:$0x3FA4] =	sst s2  }
0xb: {  	[smem:$0x3FA5] =	sst s3  }
0xc: {  	[smem:$0x3FA6] =	sst s4  }
0xd: {  	[smem:$0x3FA7] =	sst s5  }
0xe: {  	[smem:$0x3FA8] =	sst s6  }
0xf: {  	[smem:$0x3FA9] =	sst s7  }
0x10: {  	[smem:$0x3FAA] =	sst s8  }
0x11: {  	[smem:$0x3FAB] =	sst s9;
	s0 =	simm.s32 @!p0 $0x0  }
0x12: {  	s1 =	sld [smem:$0x3F91];
	s0 =	simm.s32 @p0 $0x1  }
0x13: {  	[smem:$0x3FAC] =	sst s0;
	s0 =	simm.s32 @!p1 $0x0  }
0x14: {  	s2 =	sld [smem:$0x3F90];
	s0 =	simm.s32 @p1 $0x1  }
0x15: {  	[smem:$0x3FAD] =	sst s0;
	s0 =	simm.s32 @!p2 $0x0  }
0x16: {  	s3 =	sld [smem:$0x3FDB];
	s0 =	simm.s32 @p2 $0x1  }
0x17: {  	s4 =	simm.s32 $0x1BF5;
	[smem:$0x3FAF] =	sst s0  }
0x18: {  	s0 =	sld [smem:$0x3F92];
	_ =	swait.ge [sflag:s4], $0x0  }
0x19: {  	s7 =	sld [smem:$0x3F93]  }
0x1a: {  	s8 =	sadd.s32 $0xFFFFE003, lr  }
0x1b: {  	s9 =	sadd.s32 $0xFFFFFEF7, lr;
	s5 =	simm.s32 $0xFFFFFFFF;
	p2 =	slt.u32 s8, $0xFFFFF086  }
0x1c: {  	p1 =	slt.u32 s9, $0xF7A;
	s5 =	simm.s32 @!p2 $0x0  }
0x1d: {  	s5 =	simm.s32 @p1 $0x1;
	p0 =	seq.s32 s7, s2  }
0x1e: {  	s7 =	smul.u32 @!p0 $0xF7A, s2;
	p2 =	seq.s32 @!p0 s5, $0x0  }
0x1f: {  	s9 =	smul.u32 $0xF7A, s1;
	s8 =	simm.s32 @!p0 $0x1BF5;
	p2 =	por !p2, p0  }
0x20: {  	[sflag:s8] =	ssyncset.s32 @!p0 $0xFFFFF086;
	s6 =	sadd.s32 @!p0 s3, s7;
	s7 =	simm.s32 @!p0 $0x108  }
0x21: {  	s3 =	sadd.s32 s3, s9;
	s6 =	sadd.s32 @!p0 $0x88, s6;
	s7 =	simm.s32 @p2 $0x1082  }
0x22: {  	[simem:s7], [sflag:s8] =	dma.local @!p0 [hbm:s6], $0xF7A  }
0x23: {  	s9 =	sor.u32 $0xD0000000, s2;
	s6 =	simm.s32 $0x108;
	_ =	swait.ge @!p0 [sflag:s8], $0x0  }
0x24: {  	s3 =	sadd.s32 $0x88, s3;
	s6 =	simm.s32 @!p1 $0x1082;
	[sflag:s4] =	ssyncset.s32 $0xFFFFF086  }
0x25: {  	[simem:s6], [sflag:s4] =	dma.local [hbm:s3], $0xF7A  }
0x26: {  	[smem:$0x3F93] =	sst s1;
	(tag) =	ssettag s2;
	_ =	strace s9  }
0x27: {  	s1 =	sld [smem:$0x3FA3]  }
0x28: {  	s2 =	sld [smem:$0x3FA4]  }
0x29: {  	s4 =	sld [smem:$0x3FA6]  }
0x2a: {  	p0 =	seq.s32 s5, $0x0;
	s5 =	sld [smem:$0x3FA7]  }
0x2b: {  	s6 =	sld [smem:$0x3FA8]  }
0x2c: {  	s7 =	sld [smem:$0x3FA9]  }
0x2d: {  	s3 =	simm.s32 $0x108;
	s8 =	sld [smem:$0x3FAA]  }
0x2e: {  	s3 =	simm.s32 @!p0 $0x1082;
	s9 =	sld [smem:$0x3FAB]  }
0x2f: {  	lr =	sadd.s32 s0, s3;
	s0 =	sld [smem:$0x3FA2]  }
0x30: {  	s3 =	sld [smem:$0x3FA5]  }
0x31: {  	[smem:$0x3FAE] =	sst s10  }
0x32: {  	s10 =	sld [smem:$0x3FAC];
	_ =	sdelay $0x3  }
0x33: {  	p0 =	seq.s32 s10, $0x1;
	s10 =	sld [smem:$0x3FAE];
	_ =	sdelay $0x3  }
0x34: {  	[smem:$0x3FAE] =	sst s10  }
0x35: {  	s10 =	sld [smem:$0x3FAD];
	_ =	sdelay $0x3  }
0x36: {  	p1 =	seq.s32 s10, $0x1;
	s10 =	sld [smem:$0x3FAE];
	_ =	sdelay $0x3  }
0x37: {  	[smem:$0x3FAE] =	sst s10  }
0x38: {  	s10 =	sld [smem:$0x3FAF]  }
0x39: {  	_ = 	snop;
	(pc) =	sbr.ind lr, $3  }
0x3a: {  	_ = 	snop  }
0x3b: {  	_ = 	snop  }
0x3c: {  	p2 =	seq.s32 s10, $0x1;
	s10 =	sld [smem:$0x3FAE]  }
0x3d: {  	_ =	shalt  }
0x3e: {  	_ =	shalt  }
0x3f: {  	_ =	shalt  }
0x40: {  	_ =	shalt  }
0x41: {  	_ =	shalt  }
0x42: {  	_ =	shalt  }
0x43: {  	_ =	shalt  }
0x44: {  	_ =	shalt  }
0x45: {  	_ =	shalt  }
0x46: {  	_ =	shalt  }
0x47: {  	_ =	shalt  }
0x48: {  	_ =	shalt  }
0x49: {  	_ =	shalt  }
0x4a: {  	_ =	shalt  }
0x4b: {  	_ =	shalt  }
0x4c: {  	_ =	shalt  }
0x4d: {  	_ =	shalt  }
0x4e: {  	_ =	shalt  }
0x4f: {  	_ =	shalt  }
0x50: {  	_ =	shalt  }
0x51: {  	_ =	shalt  }
0x52: {  	_ =	shalt  }
0x53: {  	_ =	shalt  }
0x54: {  	_ =	shalt  }
0x55: {  	_ =	shalt  }
0x56: {  	_ =	shalt  }
0x57: {  	_ =	shalt  }
0x58: {  	_ =	shalt  }
0x59: {  	_ =	shalt  }
0x5a: {  	_ =	shalt  }
0x5b: {  	_ =	shalt  }
0x5c: {  	_ =	shalt  }
0x5d: {  	_ =	shalt  }
0x5e: {  	_ =	shalt  }
0x5f: {  	_ =	shalt  }
0x60: {  	_ =	shalt  }
0x61: {  	_ =	shalt  }
0x62: {  	_ =	shalt  }
0x63: {  	_ =	shalt  }
0x64: {  	_ =	shalt  }
0x65: {  	_ =	shalt  }
0x66: {  	_ =	shalt  }
0x67: {  	_ =	shalt  }
0x68: {  	_ =	shalt  }
0x69: {  	_ =	shalt  }
0x6a: {  	_ =	shalt  }
0x6b: {  	_ =	shalt  }
0x6c: {  	_ =	shalt  }
0x6d: {  	_ =	shalt  }
0x6e: {  	_ =	shalt  }
0x6f: {  	_ =	shalt  }
0x70: {  	_ =	shalt  }
0x71: {  	_ =	shalt  }
0x72: {  	_ =	shalt  }
0x73: {  	_ =	shalt  }
0x74: {  	_ =	shalt  }
0x75: {  	_ =	shalt  }
0x76: {  	_ =	shalt  }
0x77: {  	_ =	shalt  }
0x78: {  	_ =	shalt  }
0x79: {  	_ =	shalt  }
0x7a: {  	_ =	shalt  }
0x7b: {  	_ =	shalt  }
0x7c: {  	_ =	shalt  }
0x7d: {  	_ =	shalt  }
0x7e: {  	_ =	shalt  }
0x7f: {  	_ =	shalt  }
0x80: {  	_ =	shalt  }
0x81: {  	_ =	shalt  }
0x82: {  	_ =	shalt  }
0x83: {  	_ =	shalt  }
0x84: {  	_ =	shalt  }
0x85: {  	_ =	shalt  }
0x86: {  	_ =	shalt  }
0x87: {  	_ =	shalt  }
.Lfunc_end0:
.L_simem_size_0:
called_computation.1_lowered:
.L_overlay_start_0:
0x88: {  	s2 =	sld [smem:$0x3FD9]  }
0x89: {  	s3 =	sld [smem:$0x3FFE];
	_ =	sdelay $0x1  }
0x8a: {  	s1 =	srdreg.scid  }
0x8b: {  	s0 =	sand.u32 $0x1, s1  }
0x8c: {  	s17 =	sshll.u32 s0, $0xA;
	s2 =	sadd.s32 s3, s2  }
0x8d: {  	s2 =	sadd.s32 s2, s17  }
0x8e: {  	[smem:$0x3FBA] =	sst s2  }
0x8f: {  	_ = 	snop  }
0x90: {  	s2 =	sld [smem:$0x3FD0];
	(tm) =	ssettm $0x1  }
0x91: {  	s18 =	sld [smem:$0x3FFB];
	_ =	sdelay $0x3  }
0x92: {  	_ =	strace s18  }
0x93: {  	s3 =	sld [smem:$0x3FFC];
	_ =	sdelay $0x3  }
0x94: {  	_ =	strace s3  }
0x95: {  	s3 =	sld [smem:$0x3FFD];
	_ =	sdelay $0x3  }
0x96: {  	_ =	strace s3  }
0x97: {  	_ =	strace $0x8FFFFFFF  }
0x98: {  	s19 =	sld [smem:$0x3FDB];
	_ =	sdelay $0x1  }
0x99: {  	s4 =	simm.s32 $_scs_section_size  }
0x9a: {  	s5 =	simm.s32 $_size__tile_overlayer_lowered;
	s6 =	simm.s32 $_tile_overlayer_lowered  }
0x9b: {  	s22 =	simm.s32 $0x1BFF;
	s21 =	sshll.u32 s6, $0x1;
	s3 =	sadd.s32 s4, s19  }
0x9c: {  	s7 =	simm.s32 $0x0;
	s20 =	sshll.u32 s5, $0x1;
	s5 =	sadd.s32 s21, s3  }
0x9d: {  	[timem:s7], [sflag:s22] =	dma.local [hbm:s5], s20  }
0x9e: {  	_ =	swait.ge [sflag:s22], s20  }
0x9f: {  	s4 =	ssub.s32 $0x0, s20;
	[sflag:s22] =	ssyncset.done $0x0  }
0xa0: {  	[sflag:s22] =	ssyncadd.s32 s4;
	_ =	sdelay $0x1  }
0xa1: {  	s23 =	simm.s32 $0x1B8B  }
0xa2: {  	_ =	swait.ge [sflag:s23], $0x1  }
0xa3: {  	[sflag:s23] =	ssyncset.done $0x0  }
0xa4: {  	s25 =	simm.s32 $0x1B8E;
	s24 =	sld [smem:$0x3FFE];
	[sflag:s23] =	ssyncadd.s32 $0xFFFFFFFF  }
0xa5: {  	s26 =	simm.s32 $execute0_lowered;
	[smem:$0x3FD2] =	sst s25  }
0xa6: {  	s5 =	sshll.u32 s26, $0x1;
	_ =	strace $0x80000049;
	[dreg:$0x1] =	wrdreg $0xFFFFFFFF  }
0xa7: {  	s28 =	simm.s32 $_size_execute0_lowered;
	s3 =	sadd.s32 s3, s5;
	[dreg:$0x0] =	wrdreg $0x0  }
0xa8: {  	s5 =	sshll.u32 s28, $0x1;
	[dreg:$0x2] =	wrdreg s3  }
0xa9: {  	[dreg:$0x3] =	wrdreg s5  }
0xaa: {  	[dreg:$0x4] =	wrdreg $0xC0  }
0xab: {  	_ =	task [dreg:s7], $0x5FFFF  }
0xac: {  	[dreg:$0x1] =	wrdreg $0xFFFFFFFF  }
0xad: {  	[dreg:$0x0] =	wrdreg $0x60  }
0xae: {  	[dreg:$0x2] =	wrdreg s24  }
0xaf: {  	[dreg:$0x3] =	wrdreg s2  }
0xb0: {  	[dreg:$0x4] =	wrdreg $0x69000  }
0xb1: {  	[dreg:$0x5] =	wrdreg $0x9  }
0xb2: {  	_ =	task.clear_ibuf [dreg:s7], $0x6FFFF;
	_ =	strace $0x90000049  }
0xb3: {  	s29 =	simm.s32 $0x9;
	_ =	strace $0x8000004B  }
0xb4: {  	_ =	swait.ge [sflag:s29], $0x1  }
0xb5: {  	[sflag:s29] =	ssyncadd.s32 $0xFFFFFFFF  }
0xb6: {  	_ =	strace $0x9000004B  }
0xb7: {  	_ =	sfence  }
0xb8: {  	s30 =	sld [smem:$0x0];
	_ =	sdelay $0x2  }
0xb9: {  	s31 =	sshll.u32 s1, $0xD;
	s1 =	sshrl.u32 s1, $0x2  }
0xba: {  	s3 =	sand.u32 $0x4000, s31;
	s1 =	sadd.s32 s1, s30  }
0xbb: {  	s0 =	sor.u32 s3, s0;
	s1 =	sshll.u32 s1, $0x11  }
0xbc: {  	s0 =	sor.u32 s1, s0  }
0xbd: {  	s0 =	sadd.s32 $0x8F2B, s0  }
0xbe: {  	[sflag:s0] =	ssyncadd.remote.s32 $0x1  }
0xbf: {  	_ =	sfence.sel $0xFFFF  }
0xc0: {  	[dreg:$0x0] =	wrdreg $0xFFFFFFFF;
	(pc) =	sbr.abs _section_cstart, $3  }
0xc1: {  	[dreg:$0x1] =	wrdreg $0xFFFFFFFF  }
0xc2: {  	_ =	task.clear_ibuf [dreg:s7], $0x2FFFF;
	_ =	strace $0x9FFFFFFF  }
0xc3: {  	(tm) =	ssettm $0x7FFFFFFF  }
tec
execute0_lowered:
.L_overlay_start_1:
0x0: {  	(tag) =	ssettag $0x1  }
0x1: {  	s5 =	rddreg [dreg:$0x0]  }
0x2: {  	s13 =	rddreg [dreg:$0x1]  }
0x3: {  	s1 =	rddreg [dreg:$0x2]  }
0x4: {  	s2 =	srdreg.scid;
	s0 =	rddreg [dreg:$0x3];
	s3 =	simm.s32 $0x0  }
0x5: {  	s16 =	simm.s32 $0x80;
	s17 =	simm.s32 $0x50;
	s6 =	sand.u32 $0x1, s2  }
0x6: {  	s18 =	simm.s32 $0x100;
	s2 =	stileid.u32;
	s7 =	smul.u32 $0x140000, s6  }
0x7: {  	s19 =	simm.s32 $0x1;
	s21 =	simm.s32 $0x0;
	s8 =	smul.u32 $0x14000, s2  }
0x8: {  	[smem:$0x7FF] =	sst s3;
	s4 =	sadd.s32 $0x3A00, s5;
	s30 =	smul.u32 $0x50000, s2  }
0x9: {  	_ =	strace $0x8000004A;
	s9 =	ssub.s32 $0x2, s6;
	s10 =	smul.u32 $0x4E20, s2  }
0xa: {  	s12 =	smul.u32 $0x2710, s6;
	s20 =	sshll.u32 s2, $0x6;
	s11 =	sshrl.u32 s9, $0x1  }
0xb: {  	s20 =	sor.u32 $0x1C02, s20;
	s7 =	sadd.s32 s8, s7;
	s8 =	sshrl.u32 s30, $0x2  }
0xc: {  	s11 =	ssub.s32 s9, s11;
	s12 =	sadd.s32 s12, s10;
	s7 =	sshrl.u32 s7, $0x3  }
0xd: {  	s15 =	sadd.s32 $0x4E200, s12;
	s12 =	sshrl.u32 s12, $0x3;
	s11 =	smax.u32 s11, $0x1  }
0xe: {  	s14 =	sadd.s32 s7, s5;
	s5 =	sadd.s32 s8, s1;
	s31 =	sshrl.u32 s15, $0x3  }
0xf: {  	s12 =	sadd.s32 s12, s13;
	s15 =	simm.s32 $0x2;
	s6 =	sadd.s32 $0x4000, s5  }
0x10: {  	s7 =	sadd.s32 $0x8000, s5;
	s8 =	sadd.s32 $0xC000, s5;
	s9 =	sadd.s32 $0x10000, s5  }
0x11: {  	v0 =	vimm.f32 $0.0e+00;
	s10 =	sadd.s32 $0x2AC00, s14;
	s13 =	sadd.s32 s31, s13;
	s14 =	simm.s32 $0x2900  }
.LBB2_1:
0x12: {  	s22 =	simm.s32 $0x0;
	s23 =	simm.s32 $0x200  }
.LBB2_2:
0x13: {  	p0 =	sne.s32 s23, $0xFE00;
	[tilespmem:s22+$0x2970] =	vst v0  }
0x14: {  	[tilespmem:s22+$0x2900] =	vst v0  }
0x15: {  	[tilespmem:s22+$0x2910] =	vst v0  }
.Ltmp0:
0x16: {  	[tilespmem:s22+$0x2920] =	vst v0;
	(pc) =	sbr.rel @p0 .LBB2_2-.Ltmp0, $4  }
0x17: {  	[tilespmem:s22+$0x2930] =	vst v0  }
0x18: {  	[tilespmem:s22+$0x2940] =	vst v0  }
0x19: {  	[tilespmem:s22+$0x2950] =	vst v0  }
0x1a: {  	[tilespmem:s22+$0x2960] =	vst v0;
	s22 =	sshra.s32 s23, $0x2;
	s23 =	sadd.s32 $0x200, s23  }
0x1b: {  	[tilespmem:s22+$0x2970] =	vst v0  }
0x1c: {  	[tilespmem:s22+$0x2900] =	vst v0  }
0x1d: {  	[tilespmem:s22+$0x2910] =	vst v0  }
0x1e: {  	[tilespmem:s22+$0x2920] =	vst v0  }
0x1f: {  	[tilespmem:s22+$0x2930] =	vst v0  }
0x20: {  	[tilespmem:s22+$0x2940] =	vst v0  }
0x21: {  	[tilespmem:s22+$0x2950] =	vst v0  }
0x22: {  	[tilespmem:s22+$0x2960] =	vst v0  }
0x23: {  	[spmem:s5] =	stream.linear.scatter [tilespmem:s14], [sflag:$0x2], $0x4000, $0x38;
	[tilespmem:$0x1A900] =	vst v63  }
0x24: {  	_ =	swait.ge [sflag:s15], $0x4000  }
0x25: {  	[sflag:s15] =	ssyncset.done $0x0  }
0x26: {  	[sflag:s15] =	ssyncadd.s32 $0xFFFFC000  }
0x27: {  	[spmem:s6] =	stream.linear.scatter [tilespmem:s14], [sflag:$0x2], $0x4000, $0x38;
	[tilespmem:$0x1A900] =	vst v63  }
0x28: {  	_ =	swait.ge [sflag:s15], $0x4000  }
0x29: {  	[sflag:s15] =	ssyncset.done $0x0  }
0x2a: {  	[sflag:s15] =	ssyncadd.s32 $0xFFFFC000  }
0x2b: {  	[spmem:s7] =	stream.linear.scatter [tilespmem:s14], [sflag:$0x2], $0x4000, $0x38;
	[tilespmem:$0x1A900] =	vst v63  }
0x2c: {  	_ =	swait.ge [sflag:s15], $0x4000  }
0x2d: {  	[sflag:s15] =	ssyncset.done $0x0  }
0x2e: {  	[sflag:s15] =	ssyncadd.s32 $0xFFFFC000  }
0x2f: {  	[spmem:s8] =	stream.linear.scatter [tilespmem:s14], [sflag:$0x2], $0x4000, $0x38;
	[tilespmem:$0x1A900] =	vst v63  }
0x30: {  	_ =	swait.ge [sflag:s15], $0x4000  }
0x31: {  	[sflag:s15] =	ssyncset.done $0x0  }
0x32: {  	[sflag:s15] =	ssyncadd.s32 $0xFFFFC000  }
0x33: {  	[spmem:s9] =	stream.linear.scatter [tilespmem:s14], [sflag:$0x2], $0x4000, $0x38;
	[tilespmem:$0x1A900] =	vst v63  }
0x34: {  	_ =	swait.ge [sflag:s15], $0x4000  }
0x35: {  	[sflag:s15] =	ssyncset.done $0x0  }
0x36: {  	[sflag:s15] =	ssyncadd.s32 $0xFFFFC000  }
0x37: {  	s30 =	sadd.s32 $0x0, s12;
	[bflag:$0x0] =	sbarrier.arrive $0xFFFF  }
0x38: {  	[tilespmem:s3], [sflag:$0x2] =	stream.linear.gather [hbm4b:s30+s3], $0x50, $0x38;
	[tilespmem:$0x1A900] =	vst v63  }
0x39: {  	_ =	swait.ge [sflag:s15], $0x50  }
0x3a: {  	[sflag:s15] =	ssyncset.done $0x0  }
0x3b: {  	s31 =	sadd.s32 $0x0, s13;
	[sflag:s15] =	ssyncadd.s32 $0xFFFFFFB0  }
0x3c: {  	[tilespmem:s16], [sflag:$0x2] =	stream.linear.gather [hbm4b:s31+s3], $0x50, $0x38;
	[tilespmem:$0x1A900] =	vst v63  }
0x3d: {  	_ =	swait.ge [sflag:s15], $0x50  }
0x3e: {  	[sflag:s15] =	ssyncset.done $0x0  }
0x3f: {  	[sflag:s15] =	ssyncadd.s32 $0xFFFFFFB0  }
0x40: {  	[tilespmem:s18], [sflag:$0x1] =	stream.indirect.gather [hbm4b:s4+s17], $0x80, s3, s17, $0xb8;
	[tilespmem:$0x1A900] =	vst v63  }
0x41: {  	_ =	swait.ge [sflag:s19], $0x2800  }
0x42: {  	[sflag:s19] =	ssyncset.done $0x0  }
0x43: {  	[sflag:s19] =	ssyncadd.s32 $0xFFFFD800  }
0x44: {  	[spmem:s1] =	stream.indirect.scatter.add.f32 [tilespmem:s18], [sflag:$0x2], $0x80, s16, s17, $0xb8;
	[tilespmem:$0x1A900] =	vst v63  }
0x45: {  	_ =	swait.ge [sflag:s15], $0x2800  }
0x46: {  	s22 =	simm.s32 $0xA;
	s23 =	simm.s32 $0x14;
	[sflag:s15] =	ssyncset.done $0x0  }
.LBB2_4:
0x47: {  	s24 =	sadd.s32 s22, s12  }
0x48: {  	[sflag:s15] =	ssyncadd.s32 $0xFFFFD800;
	s25 =	smov.u32 s23;
	s26 =	sadd.s32 $0xA, s23  }
0x49: {  	[tilespmem:s3], [sflag:$0x2] =	stream.linear.gather [hbm4b:s24+s3], $0x50, $0x38;
	[tilespmem:$0x1A900] =	vst v63  }
0x4a: {  	p0 =	sne.s32 s23, $0x4D8;
	_ =	swait.ge [sflag:s15], $0x50  }
0x4b: {  	[sflag:s15] =	ssyncset.done $0x0  }
0x4c: {  	s23 =	sadd.s32 s22, s13;
	s22 =	smov.u32 s25;
	[sflag:s15] =	ssyncadd.s32 $0xFFFFFFB0  }
0x4d: {  	[tilespmem:s16], [sflag:$0x2] =	stream.linear.gather [hbm4b:s23+s3], $0x50, $0x38;
	[tilespmem:$0x1A900] =	vst v63  }
0x4e: {  	_ =	swait.ge [sflag:s15], $0x50  }
0x4f: {  	[sflag:s15] =	ssyncset.done $0x0  }
0x50: {  	[sflag:s15] =	ssyncadd.s32 $0xFFFFFFB0  }
0x51: {  	[tilespmem:s18], [sflag:$0x1] =	stream.indirect.gather [hbm4b:s4+s17], $0x80, s3, s17, $0xb8;
	[tilespmem:$0x1A900] =	vst v63  }
0x52: {  	_ =	swait.ge [sflag:s19], $0x2800  }
.Ltmp1:
0x53: {  	[sflag:s19] =	ssyncset.done $0x0;
	(pc) =	sbr.rel @p0 .LBB2_4-.Ltmp1, $4  }
0x54: {  	[sflag:s19] =	ssyncadd.s32 $0xFFFFD800  }
0x55: {  	[spmem:s1] =	stream.indirect.scatter.add.f32 [tilespmem:s18], [sflag:$0x2], $0x80, s16, s17, $0xb8;
	[tilespmem:$0x1A900] =	vst v63  }
0x56: {  	_ =	swait.ge [sflag:s15], $0x2800  }
0x57: {  	s23 =	smov.u32 s26;
	[sflag:s15] =	ssyncset.done $0x0  }
0x58: {  	s23 =	sadd.s32 s22, s12;
	[sflag:s15] =	ssyncadd.s32 $0xFFFFD800  }
0x59: {  	[tilespmem:s3], [sflag:$0x2] =	stream.linear.gather [hbm4b:s23+s3], $0x50, $0x38;
	[tilespmem:$0x1A900] =	vst v63  }
0x5a: {  	_ =	swait.ge [sflag:s15], $0x50  }
0x5b: {  	[sflag:s15] =	ssyncset.done $0x0  }
0x5c: {  	s30 =	sadd.s32 s22, s13;
	[sflag:s15] =	ssyncadd.s32 $0xFFFFFFB0  }
0x5d: {  	[tilespmem:s16], [sflag:$0x2] =	stream.linear.gather [hbm4b:s30+s3], $0x50, $0x38;
	[tilespmem:$0x1A900] =	vst v63  }
0x5e: {  	_ =	swait.ge [sflag:s15], $0x50  }
0x5f: {  	[sflag:s15] =	ssyncset.done $0x0  }
0x60: {  	[sflag:s15] =	ssyncadd.s32 $0xFFFFFFB0  }
0x61: {  	[tilespmem:s18], [sflag:$0x1] =	stream.indirect.gather [hbm4b:s4+s17], $0x80, s3, s17, $0xb8;
	[tilespmem:$0x1A900] =	vst v63  }
0x62: {  	_ =	swait.ge [sflag:s19], $0x2800  }
0x63: {  	[sflag:s19] =	ssyncset.done $0x0  }
0x64: {  	[sflag:s19] =	ssyncadd.s32 $0xFFFFD800  }
0x65: {  	[spmem:s1] =	stream.indirect.scatter.add.f32 [tilespmem:s18], [sflag:$0x2], $0x80, s16, s17, $0xb8;
	[tilespmem:$0x1A900] =	vst v63  }
0x66: {  	_ =	swait.ge [sflag:s15], $0x2800  }
0x67: {  	s21 =	sadd.s32 $0x1, s21;
	[sflag:s15] =	ssyncset.done $0x0  }
0x68: {  	p0 =	sne.s32 s21, s11;
	[sflag:s15] =	ssyncadd.s32 $0xFFFFD800  }
.Ltmp2:
0x69: {  	s31 =	sshrl.u32 s5, $0x3;
	[bflag:$0x0] =	sbarrier.arrive $0xFFFF;
	(pc) =	sbr.rel @p0 .LBB2_1-.Ltmp2, $4  }
0x6a: {  	[hbm:s10], [sflag:s20] =	dma.local [spmem:s31], $0x2800  }
0x6b: {  	_ =	swait.ge [sflag:s15], $0x2800  }
0x6c: {  	[sflag:s15] =	ssyncset.done $0x0  }
0x6d: {  	[sflag:s15] =	ssyncadd.s32 $0xFFFFD800  }
0x6e: {  	_ =	sfence.sel $0x180000  }
0x6f: {  	[bflag:$0x0] =	sbarrier.arrive $0xFFFF  }
0x70: {  	p0 =	sne.s32 s2, $0x0;
	_ =	strace $0x9000004A  }
0x71: {  	s0 =	sadd.s32 @!p0 $0x100000, s0;
	[bflag:$0x2] =	sbarrier.arrive $0xFFFF  }
0x72: {  	[sflag:s0] =	ssyncadd.tile.s32 @!p0 $0x1;
	_ =	shalt  }
.Lfunc_end2:
_tile_overlayer_lowered:
.L_overlay_start_2:
0x73: {  	(tag) =	ssettag $0x2  }
0x74: {  	s0 =	rddreg [dreg:$0x0];
	s2 =	stileid.u32  }
0x75: {  	s1 =	rddreg [dreg:$0x1];
	p0 =	sne.s32 s2, $0x0  }
0x76: {  	s3 =	rddreg [dreg:$0x2];
	[bflag:$0x3] =	sbarrier.arrive $0xFFFF;
	s2 =	simm.s32 @!p0 $0x1C02  }
0x77: {  	[timem:s3], [sflag:s2] =	dma.local @!p0 [hbm:s0], s1  }
0x78: {  	s0 =	simm.s32 @!p0 $0x2  }
0x79: {  	_ =	swait.ge @!p0 [sflag:s0], s1  }
0x7a: {  	s1 =	ssub.s32 @!p0 $0x0, s1;
	[sflag:s0] =	ssyncset.done @!p0 $0x0  }
0x7b: {  	[sflag:s0] =	ssyncadd.s32 @!p0 s1  }
0x7c: {  	[bflag:$0x3] =	sbarrier.arrive $0xFFFF  }
0x7d: {  	_ =	shalt  }

// kernel: kernel.14.cloned.1.call-start
scs
__scs_entry_jumppad:
0x0: {  	(pc) =	sbr.rel $0x88, $3  }
0x1: {  	(tag) =	ssettag $0x0;
	lr =	simm.s32 $0x1  }
0x2: {  	[smem:$0x3F93] =	sst lr;
	_ =	strace $0xD0000000  }
0x3: {  	_ = 	snop  }
0x4: {  	_ = 	snop  }
0x5: {  	_ = 	snop  }
0x6: {  	_ = 	snop  }
0x7: {  	_ = 	snop  }
__scs_overlays_trampoline_lowered:
0x8: {  	[smem:$0x3FA2] =	sst s0  }
0x9: {  	[smem:$0x3FA3] =	sst s1  }
0xa: {  	[smem:$0x3FA4] =	sst s2  }
0xb: {  	[smem:$0x3FA5] =	sst s3  }
0xc: {  	[smem:$0x3FA6] =	sst s4  }
0xd: {  	[smem:$0x3FA7] =	sst s5  }
0xe: {  	[smem:$0x3FA8] =	sst s6  }
0xf: {  	[smem:$0x3FA9] =	sst s7  }
0x10: {  	[smem:$0x3FAA] =	sst s8  }
0x11: {  	[smem:$0x3FAB] =	sst s9;
	s0 =	simm.s32 @!p0 $0x0  }
0x12: {  	s1 =	sld [smem:$0x3F91];
	s0 =	simm.s32 @p0 $0x1  }
0x13: {  	[smem:$0x3FAC] =	sst s0;
	s0 =	simm.s32 @!p1 $0x0  }
0x14: {  	s2 =	sld [smem:$0x3F90];
	s0 =	simm.s32 @p1 $0x1  }
0x15: {  	[smem:$0x3FAD] =	sst s0;
	s0 =	simm.s32 @!p2 $0x0  }
0x16: {  	s3 =	sld [smem:$0x3FDB];
	s0 =	simm.s32 @p2 $0x1  }
0x17: {  	s4 =	simm.s32 $0x1BF5;
	[smem:$0x3FAF] =	sst s0  }
0x18: {  	s0 =	sld [smem:$0x3F92];
	_ =	swait.ge [sflag:s4], $0x0  }
0x19: {  	s7 =	sld [smem:$0x3F93]  }
0x1a: {  	s8 =	sadd.s32 $0xFFFFE003, lr  }
0x1b: {  	s9 =	sadd.s32 $0xFFFFFEF7, lr;
	s5 =	simm.s32 $0xFFFFFFFF;
	p2 =	slt.u32 s8, $0xFFFFF086  }
0x1c: {  	p1 =	slt.u32 s9, $0xF7A;
	s5 =	simm.s32 @!p2 $0x0  }
0x1d: {  	s5 =	simm.s32 @p1 $0x1;
	p0 =	seq.s32 s7, s2  }
0x1e: {  	s7 =	smul.u32 @!p0 $0xF7A, s2;
	p2 =	seq.s32 @!p0 s5, $0x0  }
0x1f: {  	s9 =	smul.u32 $0xF7A, s1;
	s8 =	simm.s32 @!p0 $0x1BF5;
	p2 =	por !p2, p0  }
0x20: {  	[sflag:s8] =	ssyncset.s32 @!p0 $0xFFFFF086;
	s6 =	sadd.s32 @!p0 s3, s7;
	s7 =	simm.s32 @!p0 $0x108  }
0x21: {  	s3 =	sadd.s32 s3, s9;
	s6 =	sadd.s32 @!p0 $0x88, s6;
	s7 =	simm.s32 @p2 $0x1082  }
0x22: {  	[simem:s7], [sflag:s8] =	dma.local @!p0 [hbm:s6], $0xF7A  }
0x23: {  	s9 =	sor.u32 $0xD0000000, s2;
	s6 =	simm.s32 $0x108;
	_ =	swait.ge @!p0 [sflag:s8], $0x0  }
0x24: {  	s3 =	sadd.s32 $0x88, s3;
	s6 =	simm.s32 @!p1 $0x1082;
	[sflag:s4] =	ssyncset.s32 $0xFFFFF086  }
0x25: {  	[simem:s6], [sflag:s4] =	dma.local [hbm:s3], $0xF7A  }
0x26: {  	[smem:$0x3F93] =	sst s1;
	(tag) =	ssettag s2;
	_ =	strace s9  }
0x27: {  	s1 =	sld [smem:$0x3FA3]  }
0x28: {  	s2 =	sld [smem:$0x3FA4]  }
0x29: {  	s4 =	sld [smem:$0x3FA6]  }
0x2a: {  	p0 =	seq.s32 s5, $0x0;
	s5 =	sld [smem:$0x3FA7]  }
0x2b: {  	s6 =	sld [smem:$0x3FA8]  }
0x2c: {  	s7 =	sld [smem:$0x3FA9]  }
0x2d: {  	s3 =	simm.s32 $0x108;
	s8 =	sld [smem:$0x3FAA]  }
0x2e: {  	s3 =	simm.s32 @!p0 $0x1082;
	s9 =	sld [smem:$0x3FAB]  }
0x2f: {  	lr =	sadd.s32 s0, s3;
	s0 =	sld [smem:$0x3FA2]  }
0x30: {  	s3 =	sld [smem:$0x3FA5]  }
0x31: {  	[smem:$0x3FAE] =	sst s10  }
0x32: {  	s10 =	sld [smem:$0x3FAC];
	_ =	sdelay $0x3  }
0x33: {  	p0 =	seq.s32 s10, $0x1;
	s10 =	sld [smem:$0x3FAE];
	_ =	sdelay $0x3  }
0x34: {  	[smem:$0x3FAE] =	sst s10  }
0x35: {  	s10 =	sld [smem:$0x3FAD];
	_ =	sdelay $0x3  }
0x36: {  	p1 =	seq.s32 s10, $0x1;
	s10 =	sld [smem:$0x3FAE];
	_ =	sdelay $0x3  }
0x37: {  	[smem:$0x3FAE] =	sst s10  }
0x38: {  	s10 =	sld [smem:$0x3FAF]  }
0x39: {  	_ = 	snop;
	(pc) =	sbr.ind lr, $3  }
0x3a: {  	_ = 	snop  }
0x3b: {  	_ = 	snop  }
0x3c: {  	p2 =	seq.s32 s10, $0x1;
	s10 =	sld [smem:$0x3FAE]  }
0x3d: {  	_ =	shalt  }
0x3e: {  	_ =	shalt  }
0x3f: {  	_ =	shalt  }
0x40: {  	_ =	shalt  }
0x41: {  	_ =	shalt  }
0x42: {  	_ =	shalt  }
0x43: {  	_ =	shalt  }
0x44: {  	_ =	shalt  }
0x45: {  	_ =	shalt  }
0x46: {  	_ =	shalt  }
0x47: {  	_ =	shalt  }
0x48: {  	_ =	shalt  }
0x49: {  	_ =	shalt  }
0x4a: {  	_ =	shalt  }
0x4b: {  	_ =	shalt  }
0x4c: {  	_ =	shalt  }
0x4d: {  	_ =	shalt  }
0x4e: {  	_ =	shalt  }
0x4f: {  	_ =	shalt  }
0x50: {  	_ =	shalt  }
0x51: {  	_ =	shalt  }
0x52: {  	_ =	shalt  }
0x53: {  	_ =	shalt  }
0x54: {  	_ =	shalt  }
0x55: {  	_ =	shalt  }
0x56: {  	_ =	shalt  }
0x57: {  	_ =	shalt  }
0x58: {  	_ =	shalt  }
0x59: {  	_ =	shalt  }
0x5a: {  	_ =	shalt  }
0x5b: {  	_ =	shalt  }
0x5c: {  	_ =	shalt  }
0x5d: {  	_ =	shalt  }
0x5e: {  	_ =	shalt  }
0x5f: {  	_ =	shalt  }
0x60: {  	_ =	shalt  }
0x61: {  	_ =	shalt  }
0x62: {  	_ =	shalt  }
0x63: {  	_ =	shalt  }
0x64: {  	_ =	shalt  }
0x65: {  	_ =	shalt  }
0x66: {  	_ =	shalt  }
0x67: {  	_ =	shalt  }
0x68: {  	_ =	shalt  }
0x69: {  	_ =	shalt  }
0x6a: {  	_ =	shalt  }
0x6b: {  	_ =	shalt  }
0x6c: {  	_ =	shalt  }
0x6d: {  	_ =	shalt  }
0x6e: {  	_ =	shalt  }
0x6f: {  	_ =	shalt  }
0x70: {  	_ =	shalt  }
0x71: {  	_ =	shalt  }
0x72: {  	_ =	shalt  }
0x73: {  	_ =	shalt  }
0x74: {  	_ =	shalt  }
0x75: {  	_ =	shalt  }
0x76: {  	_ =	shalt  }
0x77: {  	_ =	shalt  }
0x78: {  	_ =	shalt  }
0x79: {  	_ =	shalt  }
0x7a: {  	_ =	shalt  }
0x7b: {  	_ =	shalt  }
0x7c: {  	_ =	shalt  }
0x7d: {  	_ =	shalt  }
0x7e: {  	_ =	shalt  }
0x7f: {  	_ =	shalt  }
0x80: {  	_ =	shalt  }
0x81: {  	_ =	shalt  }
0x82: {  	_ =	shalt  }
0x83: {  	_ =	shalt  }
0x84: {  	_ =	shalt  }
0x85: {  	_ =	shalt  }
0x86: {  	_ =	shalt  }
0x87: {  	_ =	shalt  }
.Lfunc_end0:
.L_simem_size_0:
called_computation.2_lowered:
.L_overlay_start_0:
0x88: {  	s2 =	sld [smem:$0x3FD9]  }
0x89: {  	s3 =	sld [smem:$0x3FFE];
	_ =	sdelay $0x1  }
0x8a: {  	s1 =	srdreg.scid  }
0x8b: {  	s0 =	sand.u32 $0x1, s1  }
0x8c: {  	s17 =	sshll.u32 s0, $0xA;
	s2 =	sadd.s32 s3, s2  }
0x8d: {  	s2 =	sadd.s32 s2, s17  }
0x8e: {  	[smem:$0x3FBA] =	sst s2  }
0x8f: {  	_ = 	snop  }
0x90: {  	s2 =	sld [smem:$0x3FD0];
	(tm) =	ssettm $0x1  }
0x91: {  	s18 =	sld [smem:$0x3FFB];
	_ =	sdelay $0x3  }
0x92: {  	_ =	strace s18  }
0x93: {  	s3 =	sld [smem:$0x3FFC];
	_ =	sdelay $0x3  }
0x94: {  	_ =	strace s3  }
0x95: {  	s3 =	sld [smem:$0x3FFD];
	_ =	sdelay $0x3  }
0x96: {  	_ =	strace s3  }
0x97: {  	_ =	strace $0x8FFFFFFF  }
0x98: {  	s19 =	sld [smem:$0x3FDB];
	_ =	sdelay $0x1  }
0x99: {  	s4 =	simm.s32 $_scs_section_size  }
0x9a: {  	s5 =	simm.s32 $_size__tile_overlayer_lowered;
	s6 =	simm.s32 $_tile_overlayer_lowered  }
0x9b: {  	s22 =	simm.s32 $0x1BFF;
	s21 =	sshll.u32 s6, $0x1;
	s3 =	sadd.s32 s4, s19  }
0x9c: {  	s7 =	simm.s32 $0x0;
	s20 =	sshll.u32 s5, $0x1;
	s5 =	sadd.s32 s21, s3  }
0x9d: {  	[timem:s7], [sflag:s22] =	dma.local [hbm:s5], s20  }
0x9e: {  	_ =	swait.ge [sflag:s22], s20  }
0x9f: {  	s4 =	ssub.s32 $0x0, s20;
	[sflag:s22] =	ssyncset.done $0x0  }
0xa0: {  	[sflag:s22] =	ssyncadd.s32 s4;
	_ =	sdelay $0x1  }
0xa1: {  	s23 =	simm.s32 $0x1B8B  }
0xa2: {  	_ =	swait.ge [sflag:s23], $0x1  }
0xa3: {  	[sflag:s23] =	ssyncset.done $0x0  }
0xa4: {  	s25 =	simm.s32 $0x1B8E;
	s24 =	sld [smem:$0x3FFE];
	[sflag:s23] =	ssyncadd.s32 $0xFFFFFFFF  }
0xa5: {  	s26 =	simm.s32 $execute0_lowered;
	[smem:$0x3FD2] =	sst s25  }
0xa6: {  	s5 =	sshll.u32 s26, $0x1;
	_ =	strace $0x8000004C;
	[dreg:$0x1] =	wrdreg $0xFFFFFFFF  }
0xa7: {  	s28 =	simm.s32 $_size_execute0_lowered;
	s3 =	sadd.s32 s3, s5;
	[dreg:$0x0] =	wrdreg $0x0  }
0xa8: {  	s5 =	sshll.u32 s28, $0x1;
	[dreg:$0x2] =	wrdreg s3  }
0xa9: {  	[dreg:$0x3] =	wrdreg s5  }
0xaa: {  	[dreg:$0x4] =	wrdreg $0xC0  }
0xab: {  	_ =	task [dreg:s7], $0x5FFFF  }
0xac: {  	[dreg:$0x1] =	wrdreg $0xFFFFFFFF  }
0xad: {  	[dreg:$0x0] =	wrdreg $0x60  }
0xae: {  	[dreg:$0x2] =	wrdreg s24  }
0xaf: {  	[dreg:$0x3] =	wrdreg s2  }
0xb0: {  	[dreg:$0x4] =	wrdreg $0x69000  }
0xb1: {  	[dreg:$0x5] =	wrdreg $0x9  }
0xb2: {  	_ =	task.clear_ibuf [dreg:s7], $0x6FFFF;
	_ =	strace $0x9000004C  }
0xb3: {  	s29 =	simm.s32 $0x9;
	_ =	strace $0x8000004E  }
0xb4: {  	_ =	swait.ge [sflag:s29], $0x1  }
0xb5: {  	[sflag:s29] =	ssyncadd.s32 $0xFFFFFFFF  }
0xb6: {  	_ =	strace $0x9000004E  }
0xb7: {  	_ =	sfence  }
0xb8: {  	s30 =	sld [smem:$0x0];
	_ =	sdelay $0x2  }
0xb9: {  	s31 =	sshll.u32 s1, $0xD;
	s1 =	sshrl.u32 s1, $0x2  }
0xba: {  	s3 =	sand.u32 $0x4000, s31;
	s1 =	sadd.s32 s1, s30  }
0xbb: {  	s0 =	sor.u32 s3, s0;
	s1 =	sshll.u32 s1, $0x11  }
0xbc: {  	s0 =	sor.u32 s1, s0  }
0xbd: {  	s0 =	sadd.s32 $0x8F2B, s0  }
0xbe: {  	[sflag:s0] =	ssyncadd.remote.s32 $0x1  }
0xbf: {  	_ =	sfence.sel $0xFFFF  }
0xc0: {  	[dreg:$0x0] =	wrdreg $0xFFFFFFFF;
	(pc) =	sbr.abs _section_cstart, $3  }
0xc1: {  	[dreg:$0x1] =	wrdreg $0xFFFFFFFF  }
0xc2: {  	_ =	task.clear_ibuf [dreg:s7], $0x2FFFF;
	_ =	strace $0x9FFFFFFF  }
0xc3: {  	(tm) =	ssettm $0x7FFFFFFF  }
tec
execute0_lowered:
.L_overlay_start_1:
0x0: {  	(tag) =	ssettag $0x1  }
0x1: {  	s5 =	rddreg [dreg:$0x0]  }
0x2: {  	s13 =	rddreg [dreg:$0x1]  }
0x3: {  	s1 =	rddreg [dreg:$0x2]  }
0x4: {  	s2 =	srdreg.scid;
	s0 =	rddreg [dreg:$0x3];
	s3 =	simm.s32 $0x0  }
0x5: {  	s16 =	simm.s32 $0x80;
	s17 =	simm.s32 $0x50;
	s6 =	sand.u32 $0x1, s2  }
0x6: {  	s18 =	simm.s32 $0x100;
	s2 =	stileid.u32;
	s7 =	smul.u32 $0x140000, s6  }
0x7: {  	s19 =	simm.s32 $0x1;
	s21 =	simm.s32 $0x0;
	s8 =	smul.u32 $0x14000, s2  }
0x8: {  	[smem:$0x7FF] =	sst s3;
	s4 =	sadd.s32 $0x3A00, s5;
	s30 =	smul.u32 $0x50000, s2  }
0x9: {  	_ =	strace $0x8000004D;
	s9 =	ssub.s32 $0x2, s6;
	s10 =	smul.u32 $0x4E20, s2  }
0xa: {  	s12 =	smul.u32 $0x2710, s6;
	s20 =	sshll.u32 s2, $0x6;
	s11 =	sshrl.u32 s9, $0x1  }
0xb: {  	s20 =	sor.u32 $0x1C02, s20;
	s7 =	sadd.s32 s8, s7;
	s8 =	sshrl.u32 s30, $0x2  }
0xc: {  	s11 =	ssub.s32 s9, s11;
	s12 =	sadd.s32 s12, s10;
	s7 =	sshrl.u32 s7, $0x3  }
0xd: {  	s15 =	sadd.s32 $0x4E200, s12;
	s12 =	sshrl.u32 s12, $0x3;
	s11 =	smax.u32 s11, $0x1  }
0xe: {  	s14 =	sadd.s32 s7, s5;
	s5 =	sadd.s32 s8, s1;
	s31 =	sshrl.u32 s15, $0x3  }
0xf: {  	s12 =	sadd.s32 s12, s13;
	s15 =	simm.s32 $0x2;
	s6 =	sadd.s32 $0x4000, s5  }
0x10: {  	s7 =	sadd.s32 $0x8000, s5;
	s8 =	sadd.s32 $0xC000, s5;
	s9 =	sadd.s32 $0x10000, s5  }
0x11: {  	v0 =	vimm.f32 $0.0e+00;
	s10 =	sadd.s32 $0x2AC00, s14;
	s13 =	sadd.s32 s31, s13;
	s14 =	simm.s32 $0x2900  }
.LBB2_1:
0x12: {  	s22 =	simm.s32 $0x0;
	s23 =	simm.s32 $0x200  }
.LBB2_2:
0x13: {  	p0 =	sne.s32 s23, $0xFE00;
	[tilespmem:s22+$0x2970] =	vst v0  }
0x14: {  	[tilespmem:s22+$0x2900] =	vst v0  }
0x15: {  	[tilespmem:s22+$0x2910] =	vst v0  }
.Ltmp0:
0x16: {  	[tilespmem:s22+$0x2920] =	vst v0;
	(pc) =	sbr.rel @p0 .LBB2_2-.Ltmp0, $4  }
0x17: {  	[tilespmem:s22+$0x2930] =	vst v0  }
0x18: {  	[tilespmem:s22+$0x2940] =	vst v0  }
0x19: {  	[tilespmem:s22+$0x2950] =	vst v0  }
0x1a: {  	[tilespmem:s22+$0x2960] =	vst v0;
	s22 =	sshra.s32 s23, $0x2;
	s23 =	sadd.s32 $0x200, s23  }
0x1b: {  	[tilespmem:s22+$0x2970] =	vst v0  }
0x1c: {  	[tilespmem:s22+$0x2900] =	vst v0  }
0x1d: {  	[tilespmem:s22+$0x2910] =	vst v0  }
0x1e: {  	[tilespmem:s22+$0x2920] =	vst v0  }
0x1f: {  	[tilespmem:s22+$0x2930] =	vst v0  }
0x20: {  	[tilespmem:s22+$0x2940] =	vst v0  }
0x21: {  	[tilespmem:s22+$0x2950] =	vst v0  }
0x22: {  	[tilespmem:s22+$0x2960] =	vst v0  }
0x23: {  	[spmem:s5] =	stream.linear.scatter [tilespmem:s14], [sflag:$0x2], $0x4000, $0x38;
	[tilespmem:$0x1A900] =	vst v63  }
0x24: {  	_ =	swait.ge [sflag:s15], $0x4000  }
0x25: {  	[sflag:s15] =	ssyncset.done $0x0  }
0x26: {  	[sflag:s15] =	ssyncadd.s32 $0xFFFFC000  }
0x27: {  	[spmem:s6] =	stream.linear.scatter [tilespmem:s14], [sflag:$0x2], $0x4000, $0x38;
	[tilespmem:$0x1A900] =	vst v63  }
0x28: {  	_ =	swait.ge [sflag:s15], $0x4000  }
0x29: {  	[sflag:s15] =	ssyncset.done $0x0  }
0x2a: {  	[sflag:s15] =	ssyncadd.s32 $0xFFFFC000  }
0x2b: {  	[spmem:s7] =	stream.linear.scatter [tilespmem:s14], [sflag:$0x2], $0x4000, $0x38;
	[tilespmem:$0x1A900] =	vst v63  }
0x2c: {  	_ =	swait.ge [sflag:s15], $0x4000  }
0x2d: {  	[sflag:s15] =	ssyncset.done $0x0  }
0x2e: {  	[sflag:s15] =	ssyncadd.s32 $0xFFFFC000  }
0x2f: {  	[spmem:s8] =	stream.linear.scatter [tilespmem:s14], [sflag:$0x2], $0x4000, $0x38;
	[tilespmem:$0x1A900] =	vst v63  }
0x30: {  	_ =	swait.ge [sflag:s15], $0x4000  }
0x31: {  	[sflag:s15] =	ssyncset.done $0x0  }
0x32: {  	[sflag:s15] =	ssyncadd.s32 $0xFFFFC000  }
0x33: {  	[spmem:s9] =	stream.linear.scatter [tilespmem:s14], [sflag:$0x2], $0x4000, $0x38;
	[tilespmem:$0x1A900] =	vst v63  }
0x34: {  	_ =	swait.ge [sflag:s15], $0x4000  }
0x35: {  	[sflag:s15] =	ssyncset.done $0x0  }
0x36: {  	[sflag:s15] =	ssyncadd.s32 $0xFFFFC000  }
0x37: {  	s30 =	sadd.s32 $0x0, s12;
	[bflag:$0x0] =	sbarrier.arrive $0xFFFF  }
0x38: {  	[tilespmem:s3], [sflag:$0x2] =	stream.linear.gather [hbm4b:s30+s3], $0x50, $0x38;
	[tilespmem:$0x1A900] =	vst v63  }
0x39: {  	_ =	swait.ge [sflag:s15], $0x50  }
0x3a: {  	[sflag:s15] =	ssyncset.done $0x0  }
0x3b: {  	s31 =	sadd.s32 $0x0, s13;
	[sflag:s15] =	ssyncadd.s32 $0xFFFFFFB0  }
0x3c: {  	[tilespmem:s16], [sflag:$0x2] =	stream.linear.gather [hbm4b:s31+s3], $0x50, $0x38;
	[tilespmem:$0x1A900] =	vst v63  }
0x3d: {  	_ =	swait.ge [sflag:s15], $0x50  }
0x3e: {  	[sflag:s15] =	ssyncset.done $0x0  }
0x3f: {  	[sflag:s15] =	ssyncadd.s32 $0xFFFFFFB0  }
0x40: {  	[tilespmem:s18], [sflag:$0x1] =	stream.indirect.gather [hbm4b:s4+s17], $0x80, s3, s17, $0xb8;
	[tilespmem:$0x1A900] =	vst v63  }
0x41: {  	_ =	swait.ge [sflag:s19], $0x2800  }
0x42: {  	[sflag:s19] =	ssyncset.done $0x0  }
0x43: {  	[sflag:s19] =	ssyncadd.s32 $0xFFFFD800  }
0x44: {  	[spmem:s1] =	stream.indirect.scatter.add.f32 [tilespmem:s18], [sflag:$0x2], $0x80, s16, s17, $0xb8;
	[tilespmem:$0x1A900] =	vst v63  }
0x45: {  	_ =	swait.ge [sflag:s15], $0x2800  }
0x46: {  	s22 =	simm.s32 $0xA;
	s23 =	simm.s32 $0x14;
	[sflag:s15] =	ssyncset.done $0x0  }
.LBB2_4:
0x47: {  	s24 =	sadd.s32 s22, s12  }
0x48: {  	[sflag:s15] =	ssyncadd.s32 $0xFFFFD800;
	s25 =	smov.u32 s23;
	s26 =	sadd.s32 $0xA, s23  }
0x49: {  	[tilespmem:s3], [sflag:$0x2] =	stream.linear.gather [hbm4b:s24+s3], $0x50, $0x38;
	[tilespmem:$0x1A900] =	vst v63  }
0x4a: {  	p0 =	sne.s32 s23, $0x4D8;
	_ =	swait.ge [sflag:s15], $0x50  }
0x4b: {  	[sflag:s15] =	ssyncset.done $0x0  }
0x4c: {  	s23 =	sadd.s32 s22, s13;
	s22 =	smov.u32 s25;
	[sflag:s15] =	ssyncadd.s32 $0xFFFFFFB0  }
0x4d: {  	[tilespmem:s16], [sflag:$0x2] =	stream.linear.gather [hbm4b:s23+s3], $0x50, $0x38;
	[tilespmem:$0x1A900] =	vst v63  }
0x4e: {  	_ =	swait.ge [sflag:s15], $0x50  }
0x4f: {  	[sflag:s15] =	ssyncset.done $0x0  }
0x50: {  	[sflag:s15] =	ssyncadd.s32 $0xFFFFFFB0  }
0x51: {  	[tilespmem:s18], [sflag:$0x1] =	stream.indirect.gather [hbm4b:s4+s17], $0x80, s3, s17, $0xb8;
	[tilespmem:$0x1A900] =	vst v63  }
0x52: {  	_ =	swait.ge [sflag:s19], $0x2800  }
.Ltmp1:
0x53: {  	[sflag:s19] =	ssyncset.done $0x0;
	(pc) =	sbr.rel @p0 .LBB2_4-.Ltmp1, $4  }
0x54: {  	[sflag:s19] =	ssyncadd.s32 $0xFFFFD800  }
0x55: {  	[spmem:s1] =	stream.indirect.scatter.add.f32 [tilespmem:s18], [sflag:$0x2], $0x80, s16, s17, $0xb8;
	[tilespmem:$0x1A900] =	vst v63  }
0x56: {  	_ =	swait.ge [sflag:s15], $0x2800  }
0x57: {  	s23 =	smov.u32 s26;
	[sflag:s15] =	ssyncset.done $0x0  }
0x58: {  	s23 =	sadd.s32 s22, s12;
	[sflag:s15] =	ssyncadd.s32 $0xFFFFD800  }
0x59: {  	[tilespmem:s3], [sflag:$0x2] =	stream.linear.gather [hbm4b:s23+s3], $0x50, $0x38;
	[tilespmem:$0x1A900] =	vst v63  }
0x5a: {  	_ =	swait.ge [sflag:s15], $0x50  }
0x5b: {  	[sflag:s15] =	ssyncset.done $0x0  }
0x5c: {  	s30 =	sadd.s32 s22, s13;
	[sflag:s15] =	ssyncadd.s32 $0xFFFFFFB0  }
0x5d: {  	[tilespmem:s16], [sflag:$0x2] =	stream.linear.gather [hbm4b:s30+s3], $0x50, $0x38;
	[tilespmem:$0x1A900] =	vst v63  }
0x5e: {  	_ =	swait.ge [sflag:s15], $0x50  }
0x5f: {  	[sflag:s15] =	ssyncset.done $0x0  }
0x60: {  	[sflag:s15] =	ssyncadd.s32 $0xFFFFFFB0  }
0x61: {  	[tilespmem:s18], [sflag:$0x1] =	stream.indirect.gather [hbm4b:s4+s17], $0x80, s3, s17, $0xb8;
	[tilespmem:$0x1A900] =	vst v63  }
0x62: {  	_ =	swait.ge [sflag:s19], $0x2800  }
0x63: {  	[sflag:s19] =	ssyncset.done $0x0  }
0x64: {  	[sflag:s19] =	ssyncadd.s32 $0xFFFFD800  }
0x65: {  	[spmem:s1] =	stream.indirect.scatter.add.f32 [tilespmem:s18], [sflag:$0x2], $0x80, s16, s17, $0xb8;
	[tilespmem:$0x1A900] =	vst v63  }
0x66: {  	_ =	swait.ge [sflag:s15], $0x2800  }
0x67: {  	s21 =	sadd.s32 $0x1, s21;
	[sflag:s15] =	ssyncset.done $0x0  }
0x68: {  	p0 =	sne.s32 s21, s11;
	[sflag:s15] =	ssyncadd.s32 $0xFFFFD800  }
.Ltmp2:
0x69: {  	s31 =	sshrl.u32 s5, $0x3;
	[bflag:$0x0] =	sbarrier.arrive $0xFFFF;
	(pc) =	sbr.rel @p0 .LBB2_1-.Ltmp2, $4  }
0x6a: {  	[hbm:s10], [sflag:s20] =	dma.local [spmem:s31], $0x2800  }
0x6b: {  	_ =	swait.ge [sflag:s15], $0x2800  }
0x6c: {  	[sflag:s15] =	ssyncset.done $0x0  }
0x6d: {  	[sflag:s15] =	ssyncadd.s32 $0xFFFFD800  }
0x6e: {  	_ =	sfence.sel $0x180000  }
0x6f: {  	[bflag:$0x0] =	sbarrier.arrive $0xFFFF  }
0x70: {  	p0 =	sne.s32 s2, $0x0;
	_ =	strace $0x9000004D  }
0x71: {  	s0 =	sadd.s32 @!p0 $0x100000, s0;
	[bflag:$0x2] =	sbarrier.arrive $0xFFFF  }
0x72: {  	[sflag:s0] =	ssyncadd.tile.s32 @!p0 $0x1;
	_ =	shalt  }
.Lfunc_end2:
_tile_overlayer_lowered:
.L_overlay_start_2:
0x73: {  	(tag) =	ssettag $0x2  }
0x74: {  	s0 =	rddreg [dreg:$0x0];
	s2 =	stileid.u32  }
0x75: {  	s1 =	rddreg [dreg:$0x1];
	p0 =	sne.s32 s2, $0x0  }
0x76: {  	s3 =	rddreg [dreg:$0x2];
	[bflag:$0x3] =	sbarrier.arrive $0xFFFF;
	s2 =	simm.s32 @!p0 $0x1C02  }
0x77: {  	[timem:s3], [sflag:s2] =	dma.local @!p0 [hbm:s0], s1  }
0x78: {  	s0 =	simm.s32 @!p0 $0x2  }
0x79: {  	_ =	swait.ge @!p0 [sflag:s0], s1  }
0x7a: {  	s1 =	ssub.s32 @!p0 $0x0, s1;
	[sflag:s0] =	ssyncset.done @!p0 $0x0  }
0x7b: {  	[sflag:s0] =	ssyncadd.s32 @!p0 s1  }
0x7c: {  	[bflag:$0x3] =	sbarrier.arrive $0xFFFF  }
0x7d: {  	_ =	shalt  }

// kernel: kernel.8.cloned.1.call-start
scs
__scs_entry_jumppad:
0x0: {  	(pc) =	sbr.rel $0x88, $3  }
0x1: {  	(tag) =	ssettag $0x0;
	lr =	simm.s32 $0x1  }
0x2: {  	[smem:$0x3F93] =	sst lr;
	_ =	strace $0xD0000000  }
0x3: {  	_ = 	snop  }
0x4: {  	_ = 	snop  }
0x5: {  	_ = 	snop  }
0x6: {  	_ = 	snop  }
0x7: {  	_ = 	snop  }
__scs_overlays_trampoline_lowered:
0x8: {  	[smem:$0x3FA2] =	sst s0  }
0x9: {  	[smem:$0x3FA3] =	sst s1  }
0xa: {  	[smem:$0x3FA4] =	sst s2  }
0xb: {  	[smem:$0x3FA5] =	sst s3  }
0xc: {  	[smem:$0x3FA6] =	sst s4  }
0xd: {  	[smem:$0x3FA7] =	sst s5  }
0xe: {  	[smem:$0x3FA8] =	sst s6  }
0xf: {  	[smem:$0x3FA9] =	sst s7  }
0x10: {  	[smem:$0x3FAA] =	sst s8  }
0x11: {  	[smem:$0x3FAB] =	sst s9;
	s0 =	simm.s32 @!p0 $0x0  }
0x12: {  	s1 =	sld [smem:$0x3F91];
	s0 =	simm.s32 @p0 $0x1  }
0x13: {  	[smem:$0x3FAC] =	sst s0;
	s0 =	simm.s32 @!p1 $0x0  }
0x14: {  	s2 =	sld [smem:$0x3F90];
	s0 =	simm.s32 @p1 $0x1  }
0x15: {  	[smem:$0x3FAD] =	sst s0;
	s0 =	simm.s32 @!p2 $0x0  }
0x16: {  	s3 =	sld [smem:$0x3FDB];
	s0 =	simm.s32 @p2 $0x1  }
0x17: {  	s4 =	simm.s32 $0x1BF5;
	[smem:$0x3FAF] =	sst s0  }
0x18: {  	s0 =	sld [smem:$0x3F92];
	_ =	swait.ge [sflag:s4], $0x0  }
0x19: {  	s7 =	sld [smem:$0x3F93]  }
0x1a: {  	s8 =	sadd.s32 $0xFFFFE003, lr  }
0x1b: {  	s9 =	sadd.s32 $0xFFFFFEF7, lr;
	s5 =	simm.s32 $0xFFFFFFFF;
	p2 =	slt.u32 s8, $0xFFFFF086  }
0x1c: {  	p1 =	slt.u32 s9, $0xF7A;
	s5 =	simm.s32 @!p2 $0x0  }
0x1d: {  	s5 =	simm.s32 @p1 $0x1;
	p0 =	seq.s32 s7, s2  }
0x1e: {  	s7 =	smul.u32 @!p0 $0xF7A, s2;
	p2 =	seq.s32 @!p0 s5, $0x0  }
0x1f: {  	s9 =	smul.u32 $0xF7A, s1;
	s8 =	simm.s32 @!p0 $0x1BF5;
	p2 =	por !p2, p0  }
0x20: {  	[sflag:s8] =	ssyncset.s32 @!p0 $0xFFFFF086;
	s6 =	sadd.s32 @!p0 s3, s7;
	s7 =	simm.s32 @!p0 $0x108  }
0x21: {  	s3 =	sadd.s32 s3, s9;
	s6 =	sadd.s32 @!p0 $0x88, s6;
	s7 =	simm.s32 @p2 $0x1082  }
0x22: {  	[simem:s7], [sflag:s8] =	dma.local @!p0 [hbm:s6], $0xF7A  }
0x23: {  	s9 =	sor.u32 $0xD0000000, s2;
	s6 =	simm.s32 $0x108;
	_ =	swait.ge @!p0 [sflag:s8], $0x0  }
0x24: {  	s3 =	sadd.s32 $0x88, s3;
	s6 =	simm.s32 @!p1 $0x1082;
	[sflag:s4] =	ssyncset.s32 $0xFFFFF086  }
0x25: {  	[simem:s6], [sflag:s4] =	dma.local [hbm:s3], $0xF7A  }
0x26: {  	[smem:$0x3F93] =	sst s1;
	(tag) =	ssettag s2;
	_ =	strace s9  }
0x27: {  	s1 =	sld [smem:$0x3FA3]  }
0x28: {  	s2 =	sld [smem:$0x3FA4]  }
0x29: {  	s4 =	sld [smem:$0x3FA6]  }
0x2a: {  	p0 =	seq.s32 s5, $0x0;
	s5 =	sld [smem:$0x3FA7]  }
0x2b: {  	s6 =	sld [smem:$0x3FA8]  }
0x2c: {  	s7 =	sld [smem:$0x3FA9]  }
0x2d: {  	s3 =	simm.s32 $0x108;
	s8 =	sld [smem:$0x3FAA]  }
0x2e: {  	s3 =	simm.s32 @!p0 $0x1082;
	s9 =	sld [smem:$0x3FAB]  }
0x2f: {  	lr =	sadd.s32 s0, s3;
	s0 =	sld [smem:$0x3FA2]  }
0x30: {  	s3 =	sld [smem:$0x3FA5]  }
0x31: {  	[smem:$0x3FAE] =	sst s10  }
0x32: {  	s10 =	sld [smem:$0x3FAC];
	_ =	sdelay $0x3  }
0x33: {  	p0 =	seq.s32 s10, $0x1;
	s10 =	sld [smem:$0x3FAE];
	_ =	sdelay $0x3  }
0x34: {  	[smem:$0x3FAE] =	sst s10  }
0x35: {  	s10 =	sld [smem:$0x3FAD];
	_ =	sdelay $0x3  }
0x36: {  	p1 =	seq.s32 s10, $0x1;
	s10 =	sld [smem:$0x3FAE];
	_ =	sdelay $0x3  }
0x37: {  	[smem:$0x3FAE] =	sst s10  }
0x38: {  	s10 =	sld [smem:$0x3FAF]  }
0x39: {  	_ = 	snop;
	(pc) =	sbr.ind lr, $3  }
0x3a: {  	_ = 	snop  }
0x3b: {  	_ = 	snop  }
0x3c: {  	p2 =	seq.s32 s10, $0x1;
	s10 =	sld [smem:$0x3FAE]  }
0x3d: {  	_ =	shalt  }
0x3e: {  	_ =	shalt  }
0x3f: {  	_ =	shalt  }
0x40: {  	_ =	shalt  }
0x41: {  	_ =	shalt  }
0x42: {  	_ =	shalt  }
0x43: {  	_ =	shalt  }
0x44: {  	_ =	shalt  }
0x45: {  	_ =	shalt  }
0x46: {  	_ =	shalt  }
0x47: {  	_ =	shalt  }
0x48: {  	_ =	shalt  }
0x49: {  	_ =	shalt  }
0x4a: {  	_ =	shalt  }
0x4b: {  	_ =	shalt  }
0x4c: {  	_ =	shalt  }
0x4d: {  	_ =	shalt  }
0x4e: {  	_ =	shalt  }
0x4f: {  	_ =	shalt  }
0x50: {  	_ =	shalt  }
0x51: {  	_ =	shalt  }
0x52: {  	_ =	shalt  }
0x53: {  	_ =	shalt  }
0x54: {  	_ =	shalt  }
0x55: {  	_ =	shalt  }
0x56: {  	_ =	shalt  }
0x57: {  	_ =	shalt  }
0x58: {  	_ =	shalt  }
0x59: {  	_ =	shalt  }
0x5a: {  	_ =	shalt  }
0x5b: {  	_ =	shalt  }
0x5c: {  	_ =	shalt  }
0x5d: {  	_ =	shalt  }
0x5e: {  	_ =	shalt  }
0x5f: {  	_ =	shalt  }
0x60: {  	_ =	shalt  }
0x61: {  	_ =	shalt  }
0x62: {  	_ =	shalt  }
0x63: {  	_ =	shalt  }
0x64: {  	_ =	shalt  }
0x65: {  	_ =	shalt  }
0x66: {  	_ =	shalt  }
0x67: {  	_ =	shalt  }
0x68: {  	_ =	shalt  }
0x69: {  	_ =	shalt  }
0x6a: {  	_ =	shalt  }
0x6b: {  	_ =	shalt  }
0x6c: {  	_ =	shalt  }
0x6d: {  	_ =	shalt  }
0x6e: {  	_ =	shalt  }
0x6f: {  	_ =	shalt  }
0x70: {  	_ =	shalt  }
0x71: {  	_ =	shalt  }
0x72: {  	_ =	shalt  }
0x73: {  	_ =	shalt  }
0x74: {  	_ =	shalt  }
0x75: {  	_ =	shalt  }
0x76: {  	_ =	shalt  }
0x77: {  	_ =	shalt  }
0x78: {  	_ =	shalt  }
0x79: {  	_ =	shalt  }
0x7a: {  	_ =	shalt  }
0x7b: {  	_ =	shalt  }
0x7c: {  	_ =	shalt  }
0x7d: {  	_ =	shalt  }
0x7e: {  	_ =	shalt  }
0x7f: {  	_ =	shalt  }
0x80: {  	_ =	shalt  }
0x81: {  	_ =	shalt  }
0x82: {  	_ =	shalt  }
0x83: {  	_ =	shalt  }
0x84: {  	_ =	shalt  }
0x85: {  	_ =	shalt  }
0x86: {  	_ =	shalt  }
0x87: {  	_ =	shalt  }
.Lfunc_end0:
.L_simem_size_0:
called_computation_lowered:
.L_overlay_start_0:
0x88: {  	s2 =	sld [smem:$0x3FD9]  }
0x89: {  	s3 =	sld [smem:$0x3FFE];
	_ =	sdelay $0x1  }
0x8a: {  	s1 =	srdreg.scid  }
0x8b: {  	s0 =	sand.u32 $0x1, s1  }
0x8c: {  	s17 =	sshll.u32 s0, $0xA;
	s2 =	sadd.s32 s3, s2  }
0x8d: {  	s2 =	sadd.s32 s2, s17  }
0x8e: {  	[smem:$0x3FBA] =	sst s2  }
0x8f: {  	_ = 	snop  }
0x90: {  	s2 =	sld [smem:$0x3FC9]  }
0x91: {  	s18 =	sld [smem:$0x3FD0];
	(tm) =	ssettm $0x1  }
0x92: {  	s4 =	sld [smem:$0x3FFB];
	_ =	sdelay $0x3  }
0x93: {  	_ =	strace s4  }
0x94: {  	s4 =	sld [smem:$0x3FFC];
	_ =	sdelay $0x3  }
0x95: {  	_ =	strace s4  }
0x96: {  	s4 =	sld [smem:$0x3FFD];
	_ =	sdelay $0x3  }
0x97: {  	_ =	strace s4  }
0x98: {  	_ =	strace $0x8FFFFFFF  }
0x99: {  	s19 =	sld [smem:$0x3FDB];
	_ =	sdelay $0x1  }
0x9a: {  	s5 =	simm.s32 $_scs_section_size  }
0x9b: {  	s6 =	simm.s32 $_size__tile_overlayer_lowered;
	s7 =	simm.s32 $_tile_overlayer_lowered  }
0x9c: {  	s22 =	simm.s32 $0x1BFF;
	s21 =	sshll.u32 s7, $0x1;
	s4 =	sadd.s32 s5, s19  }
0x9d: {  	s8 =	simm.s32 $0x0;
	s20 =	sshll.u32 s6, $0x1;
	s6 =	sadd.s32 s21, s4  }
0x9e: {  	[timem:s8], [sflag:s22] =	dma.local [hbm:s6], s20  }
0x9f: {  	_ =	swait.ge [sflag:s22], s20  }
0xa0: {  	s5 =	ssub.s32 $0x0, s20;
	[sflag:s22] =	ssyncset.done $0x0  }
0xa1: {  	[sflag:s22] =	ssyncadd.s32 s5;
	_ =	sdelay $0x1  }
0xa2: {  	s23 =	simm.s32 $0x1B8B  }
0xa3: {  	_ =	swait.ge [sflag:s23], $0x1  }
0xa4: {  	[sflag:s23] =	ssyncset.done $0x0  }
0xa5: {  	s25 =	simm.s32 $0x1B8E;
	s24 =	sld [smem:$0x3FFE];
	[sflag:s23] =	ssyncadd.s32 $0xFFFFFFFF  }
0xa6: {  	s26 =	simm.s32 $execute0_lowered;
	[smem:$0x3FD2] =	sst s25  }
0xa7: {  	s6 =	sshll.u32 s26, $0x1;
	_ =	strace $0x80000046;
	[dreg:$0x1] =	wrdreg $0xFFFFFFFF  }
0xa8: {  	s28 =	simm.s32 $_size_execute0_lowered;
	s4 =	sadd.s32 s4, s6;
	[dreg:$0x0] =	wrdreg $0x0  }
0xa9: {  	s6 =	sshll.u32 s28, $0x1;
	[dreg:$0x2] =	wrdreg s4  }
0xaa: {  	[dreg:$0x3] =	wrdreg s6  }
0xab: {  	[dreg:$0x4] =	wrdreg $0xC0  }
0xac: {  	_ =	task [dreg:s8], $0x5FFFF  }
0xad: {  	[dreg:$0x1] =	wrdreg $0xFFFFFFFF  }
0xae: {  	[dreg:$0x0] =	wrdreg $0x60  }
0xaf: {  	[dreg:$0x2] =	wrdreg s2  }
0xb0: {  	[dreg:$0x3] =	wrdreg s18  }
0xb1: {  	[dreg:$0x4] =	wrdreg s24  }
0xb2: {  	[dreg:$0x5] =	wrdreg $0x69000  }
0xb3: {  	[dreg:$0x6] =	wrdreg $0x9  }
0xb4: {  	_ =	task.clear_ibuf [dreg:s8], $0x7FFFF;
	_ =	strace $0x90000046  }
0xb5: {  	s29 =	simm.s32 $0x9;
	_ =	strace $0x80000048  }
0xb6: {  	_ =	swait.ge [sflag:s29], $0x1  }
0xb7: {  	[sflag:s29] =	ssyncadd.s32 $0xFFFFFFFF  }
0xb8: {  	_ =	strace $0x90000048  }
0xb9: {  	_ =	sfence  }
0xba: {  	s30 =	sld [smem:$0x0];
	_ =	sdelay $0x2  }
0xbb: {  	s31 =	sshll.u32 s1, $0xD;
	s1 =	sshrl.u32 s1, $0x2  }
0xbc: {  	s3 =	sand.u32 $0x4000, s31;
	s1 =	sadd.s32 s1, s30  }
0xbd: {  	s0 =	sor.u32 s3, s0;
	s1 =	sshll.u32 s1, $0x11  }
0xbe: {  	s0 =	sor.u32 s1, s0  }
0xbf: {  	s0 =	sadd.s32 $0x8F2B, s0  }
0xc0: {  	[sflag:s0] =	ssyncadd.remote.s32 $0x1  }
0xc1: {  	_ =	sfence.sel $0xFFFF  }
0xc2: {  	[dreg:$0x0] =	wrdreg $0xFFFFFFFF;
	(pc) =	sbr.abs _section_cstart, $3  }
0xc3: {  	[dreg:$0x1] =	wrdreg $0xFFFFFFFF  }
0xc4: {  	_ =	task.clear_ibuf [dreg:s8], $0x2FFFF;
	_ =	strace $0x9FFFFFFF  }
0xc5: {  	(tm) =	ssettm $0x7FFFFFFF  }
tec
execute0_lowered:
.L_overlay_start_1:
0x0: {  	(tag) =	ssettag $0x1  }
0x1: {  	s0 =	rddreg [dreg:$0x0]  }
0x2: {  	s13 =	rddreg [dreg:$0x1]  }
0x3: {  	s6 =	rddreg [dreg:$0x2]  }
0x4: {  	s3 =	rddreg [dreg:$0x3]  }
0x5: {  	s1 =	srdreg.scid;
	s2 =	rddreg [dreg:$0x4];
	s4 =	simm.s32 $0x0  }
0x6: {  	s16 =	simm.s32 $0x80;
	s17 =	simm.s32 $0x50;
	s7 =	sand.u32 $0x1, s1  }
0x7: {  	s18 =	simm.s32 $0x100;
	s1 =	stileid.u32;
	s5 =	smul.u32 $0x140000, s7  }
0x8: {  	s19 =	simm.s32 $0x1;
	[smem:$0x7FF] =	sst s4;
	s8 =	smul.u32 $0x14000, s1  }
0x9: {  	s22 =	simm.s32 $0x0;
	s28 =	smul.u32 $0x50000, s1;
	_ =	strace $0x80000047  }
0xa: {  	s10 =	ssub.s32 $0x2, s7;
	s11 =	smul.u32 $0x4E20, s1;
	s20 =	sshll.u32 s1, $0x6  }
0xb: {  	s12 =	smul.u32 $0x2710, s7;
	s30 =	sshrl.u32 s10, $0x1;
	s20 =	sor.u32 $0x1C02, s20  }
0xc: {  	s5 =	sadd.s32 s8, s5;
	s29 =	sshrl.u32 s28, $0x2;
	s15 =	ssub.s32 s10, s30  }
0xd: {  	s12 =	sadd.s32 s12, s11;
	s9 =	sshrl.u32 s5, $0x3;
	s5 =	sadd.s32 s29, s3  }
0xe: {  	s31 =	sadd.s32 $0x4E200, s12;
	s11 =	smax.u32 s15, $0x1;
	s12 =	sshrl.u32 s12, $0x3  }
0xf: {  	s15 =	simm.s32 $0x2;
	s14 =	sadd.s32 s9, s6;
	s6 =	sadd.s32 $0x4000, s5  }
0x10: {  	s7 =	sadd.s32 $0x8000, s5;
	s8 =	sadd.s32 $0xC000, s5;
	s9 =	sadd.s32 $0x10000, s5  }
0x11: {  	s12 =	sadd.s32 s12, s13;
	s10 =	sadd.s32 $0x3A00, s14;
	s14 =	sshrl.u32 s31, $0x3  }
0x12: {  	v0 =	vimm.f32 $0.0e+00;
	s21 =	sshrl.u32 s5, $0x3;
	s13 =	sadd.s32 s14, s13;
	s14 =	simm.s32 $0x2900  }
.LBB2_1:
0x13: {  	s23 =	simm.s32 $0x0;
	s24 =	simm.s32 $0x200  }
.LBB2_2:
0x14: {  	p0 =	sne.s32 s24, $0xFE00;
	[tilespmem:s23+$0x2970] =	vst v0  }
0x15: {  	[tilespmem:s23+$0x2900] =	vst v0  }
0x16: {  	[tilespmem:s23+$0x2910] =	vst v0  }
.Ltmp0:
0x17: {  	[tilespmem:s23+$0x2920] =	vst v0;
	(pc) =	sbr.rel @p0 .LBB2_2-.Ltmp0, $4  }
0x18: {  	[tilespmem:s23+$0x2930] =	vst v0  }
0x19: {  	[tilespmem:s23+$0x2940] =	vst v0  }
0x1a: {  	[tilespmem:s23+$0x2950] =	vst v0  }
0x1b: {  	[tilespmem:s23+$0x2960] =	vst v0;
	s23 =	sshra.s32 s24, $0x2;
	s24 =	sadd.s32 $0x200, s24  }
0x1c: {  	[tilespmem:s23+$0x2970] =	vst v0  }
0x1d: {  	[tilespmem:s23+$0x2900] =	vst v0  }
0x1e: {  	[tilespmem:s23+$0x2910] =	vst v0  }
0x1f: {  	[tilespmem:s23+$0x2920] =	vst v0  }
0x20: {  	[tilespmem:s23+$0x2930] =	vst v0  }
0x21: {  	[tilespmem:s23+$0x2940] =	vst v0  }
0x22: {  	[tilespmem:s23+$0x2950] =	vst v0  }
0x23: {  	[tilespmem:s23+$0x2960] =	vst v0  }
0x24: {  	[spmem:s5] =	stream.linear.scatter [tilespmem:s14], [sflag:$0x2], $0x4000, $0x38;
	[tilespmem:$0x1A900] =	vst v63  }
0x25: {  	_ =	swait.ge [sflag:s15], $0x4000  }
0x26: {  	[sflag:s15] =	ssyncset.done $0x0  }
0x27: {  	[sflag:s15] =	ssyncadd.s32 $0xFFFFC000  }
0x28: {  	[spmem:s6] =	stream.linear.scatter [tilespmem:s14], [sflag:$0x2], $0x4000, $0x38;
	[tilespmem:$0x1A900] =	vst v63  }
0x29: {  	_ =	swait.ge [sflag:s15], $0x4000  }
0x2a: {  	[sflag:s15] =	ssyncset.done $0x0  }
0x2b: {  	[sflag:s15] =	ssyncadd.s32 $0xFFFFC000  }
0x2c: {  	[spmem:s7] =	stream.linear.scatter [tilespmem:s14], [sflag:$0x2], $0x4000, $0x38;
	[tilespmem:$0x1A900] =	vst v63  }
0x2d: {  	_ =	swait.ge [sflag:s15], $0x4000  }
0x2e: {  	[sflag:s15] =	ssyncset.done $0x0  }
0x2f: {  	[sflag:s15] =	ssyncadd.s32 $0xFFFFC000  }
0x30: {  	[spmem:s8] =	stream.linear.scatter [tilespmem:s14], [sflag:$0x2], $0x4000, $0x38;
	[tilespmem:$0x1A900] =	vst v63  }
0x31: {  	_ =	swait.ge [sflag:s15], $0x4000  }
0x32: {  	[sflag:s15] =	ssyncset.done $0x0  }
0x33: {  	[sflag:s15] =	ssyncadd.s32 $0xFFFFC000  }
0x34: {  	[spmem:s9] =	stream.linear.scatter [tilespmem:s14], [sflag:$0x2], $0x4000, $0x38;
	[tilespmem:$0x1A900] =	vst v63  }
0x35: {  	_ =	swait.ge [sflag:s15], $0x4000  }
0x36: {  	[sflag:s15] =	ssyncset.done $0x0  }
0x37: {  	[sflag:s15] =	ssyncadd.s32 $0xFFFFC000  }
0x38: {  	s30 =	sadd.s32 $0x0, s12;
	[bflag:$0x0] =	sbarrier.arrive $0xFFFF  }
0x39: {  	[tilespmem:s4], [sflag:$0x2] =	stream.linear.gather [hbm4b:s30+s4], $0x50, $0x38;
	[tilespmem:$0x1A900] =	vst v63  }
0x3a: {  	_ =	swait.ge [sflag:s15], $0x50  }
0x3b: {  	[sflag:s15] =	ssyncset.done $0x0  }
0x3c: {  	s31 =	sadd.s32 $0x0, s13;
	[sflag:s15] =	ssyncadd.s32 $0xFFFFFFB0  }
0x3d: {  	[tilespmem:s16], [sflag:$0x2] =	stream.linear.gather [hbm4b:s31+s4], $0x50, $0x38;
	[tilespmem:$0x1A900] =	vst v63  }
0x3e: {  	_ =	swait.ge [sflag:s15], $0x50  }
0x3f: {  	[sflag:s15] =	ssyncset.done $0x0  }
0x40: {  	[sflag:s15] =	ssyncadd.s32 $0xFFFFFFB0  }
0x41: {  	[tilespmem:s18], [sflag:$0x1] =	stream.indirect.gather [hbm4b:s0+s17], $0x80, s4, s17, $0xb8;
	[tilespmem:$0x1A900] =	vst v63  }
0x42: {  	_ =	swait.ge [sflag:s19], $0x2800  }
0x43: {  	[sflag:s19] =	ssyncset.done $0x0  }
0x44: {  	[sflag:s19] =	ssyncadd.s32 $0xFFFFD800  }
0x45: {  	[spmem:s3] =	stream.indirect.scatter.add.f32 [tilespmem:s18], [sflag:$0x2], $0x80, s16, s17, $0xb8;
	[tilespmem:$0x1A900] =	vst v63  }
0x46: {  	_ =	swait.ge [sflag:s15], $0x2800  }
0x47: {  	s23 =	simm.s32 $0xA;
	s24 =	simm.s32 $0x14;
	[sflag:s15] =	ssyncset.done $0x0  }
.LBB2_4:
0x48: {  	s25 =	sadd.s32 s23, s12  }
0x49: {  	[sflag:s15] =	ssyncadd.s32 $0xFFFFD800;
	s26 =	smov.u32 s24;
	s28 =	sadd.s32 $0xA, s24  }
0x4a: {  	[tilespmem:s4], [sflag:$0x2] =	stream.linear.gather [hbm4b:s25+s4], $0x50, $0x38;
	[tilespmem:$0x1A900] =	vst v63  }
0x4b: {  	p0 =	sne.s32 s24, $0x4D8;
	_ =	swait.ge [sflag:s15], $0x50  }
0x4c: {  	[sflag:s15] =	ssyncset.done $0x0  }
0x4d: {  	s24 =	sadd.s32 s23, s13;
	s23 =	smov.u32 s26;
	[sflag:s15] =	ssyncadd.s32 $0xFFFFFFB0  }
0x4e: {  	[tilespmem:s16], [sflag:$0x2] =	stream.linear.gather [hbm4b:s24+s4], $0x50, $0x38;
	[tilespmem:$0x1A900] =	vst v63  }
0x4f: {  	_ =	swait.ge [sflag:s15], $0x50  }
0x50: {  	[sflag:s15] =	ssyncset.done $0x0  }
0x51: {  	[sflag:s15] =	ssyncadd.s32 $0xFFFFFFB0  }
0x52: {  	[tilespmem:s18], [sflag:$0x1] =	stream.indirect.gather [hbm4b:s0+s17], $0x80, s4, s17, $0xb8;
	[tilespmem:$0x1A900] =	vst v63  }
0x53: {  	_ =	swait.ge [sflag:s19], $0x2800  }
.Ltmp1:
0x54: {  	[sflag:s19] =	ssyncset.done $0x0;
	(pc) =	sbr.rel @p0 .LBB2_4-.Ltmp1, $4  }
0x55: {  	[sflag:s19] =	ssyncadd.s32 $0xFFFFD800  }
0x56: {  	[spmem:s3] =	stream.indirect.scatter.add.f32 [tilespmem:s18], [sflag:$0x2], $0x80, s16, s17, $0xb8;
	[tilespmem:$0x1A900] =	vst v63  }
0x57: {  	_ =	swait.ge [sflag:s15], $0x2800  }
0x58: {  	s24 =	smov.u32 s28;
	[sflag:s15] =	ssyncset.done $0x0  }
0x59: {  	s24 =	sadd.s32 s23, s12;
	[sflag:s15] =	ssyncadd.s32 $0xFFFFD800  }
0x5a: {  	[tilespmem:s4], [sflag:$0x2] =	stream.linear.gather [hbm4b:s24+s4], $0x50, $0x38;
	[tilespmem:$0x1A900] =	vst v63  }
0x5b: {  	_ =	swait.ge [sflag:s15], $0x50  }
0x5c: {  	[sflag:s15] =	ssyncset.done $0x0  }
0x5d: {  	s31 =	sadd.s32 s23, s13;
	[sflag:s15] =	ssyncadd.s32 $0xFFFFFFB0  }
0x5e: {  	[tilespmem:s16], [sflag:$0x2] =	stream.linear.gather [hbm4b:s31+s4], $0x50, $0x38;
	[tilespmem:$0x1A900] =	vst v63  }
0x5f: {  	_ =	swait.ge [sflag:s15], $0x50  }
0x60: {  	[sflag:s15] =	ssyncset.done $0x0  }
0x61: {  	[sflag:s15] =	ssyncadd.s32 $0xFFFFFFB0  }
0x62: {  	[tilespmem:s18], [sflag:$0x1] =	stream.indirect.gather [hbm4b:s0+s17], $0x80, s4, s17, $0xb8;
	[tilespmem:$0x1A900] =	vst v63  }
0x63: {  	_ =	swait.ge [sflag:s19], $0x2800  }
0x64: {  	[sflag:s19] =	ssyncset.done $0x0  }
0x65: {  	[sflag:s19] =	ssyncadd.s32 $0xFFFFD800  }
0x66: {  	[spmem:s3] =	stream.indirect.scatter.add.f32 [tilespmem:s18], [sflag:$0x2], $0x80, s16, s17, $0xb8;
	[tilespmem:$0x1A900] =	vst v63  }
0x67: {  	_ =	swait.ge [sflag:s15], $0x2800  }
0x68: {  	s22 =	sadd.s32 $0x1, s22;
	[sflag:s15] =	ssyncset.done $0x0  }
0x69: {  	p0 =	sne.s32 s22, s11;
	[sflag:s15] =	ssyncadd.s32 $0xFFFFD800  }
.Ltmp2:
0x6a: {  	[bflag:$0x0] =	sbarrier.arrive $0xFFFF;
	(pc) =	sbr.rel @p0 .LBB2_1-.Ltmp2, $4  }
0x6b: {  	[hbm:s10], [sflag:s20] =	dma.local [spmem:s21], $0x2800  }
0x6c: {  	_ =	swait.ge [sflag:s15], $0x2800  }
0x6d: {  	[sflag:s15] =	ssyncset.done $0x0  }
0x6e: {  	[sflag:s15] =	ssyncadd.s32 $0xFFFFD800  }
0x6f: {  	_ =	sfence.sel $0x180000  }
0x70: {  	[bflag:$0x0] =	sbarrier.arrive $0xFFFF  }
0x71: {  	p0 =	sne.s32 s1, $0x0;
	_ =	strace $0x90000047  }
0x72: {  	s0 =	sadd.s32 @!p0 $0x100000, s2;
	[bflag:$0x2] =	sbarrier.arrive $0xFFFF  }
0x73: {  	[sflag:s0] =	ssyncadd.tile.s32 @!p0 $0x1;
	_ =	shalt  }
.Lfunc_end2:
_tile_overlayer_lowered:
.L_overlay_start_2:
0x74: {  	(tag) =	ssettag $0x2  }
0x75: {  	s0 =	rddreg [dreg:$0x0];
	s2 =	stileid.u32  }
0x76: {  	s1 =	rddreg [dreg:$0x1];
	p0 =	sne.s32 s2, $0x0  }
0x77: {  	s3 =	rddreg [dreg:$0x2];
	[bflag:$0x3] =	sbarrier.arrive $0xFFFF;
	s2 =	simm.s32 @!p0 $0x1C02  }
0x78: {  	[timem:s3], [sflag:s2] =	dma.local @!p0 [hbm:s0], s1  }
0x79: {  	s0 =	simm.s32 @!p0 $0x2  }
0x7a: {  	_ =	swait.ge @!p0 [sflag:s0], s1  }
0x7b: {  	s1 =	ssub.s32 @!p0 $0x0, s1;
	[sflag:s0] =	ssyncset.done @!p0 $0x0  }
0x7c: {  	[sflag:s0] =	ssyncadd.s32 @!p0 s1  }
0x7d: {  	[bflag:$0x3] =	sbarrier.arrive $0xFFFF  }
0x7e: {  	_ =	shalt  }

</sc_bundles>
